<compile_context>
chip_gen: v7x
topology: tpu7x:2x2x1
jax: 0.10.2.dev20260603
libtpu: 0.0.44.dev20260713+nightly
codegen_flags: <defaults>
</compile_context>

<pallas_src>
import functools

import jax
import jax.numpy as jnp
from jax import lax
from jax.experimental import pallas as pl
from jax.experimental.pallas import tpu as pltpu
from jax.experimental.pallas import tpu_sc as plsc

_B, _S, _D = 4, 2048, 1024
_NC, _NS = 2, 16
_NW = _NC * _NS
_ROWS_W = _S // _NW
_CR = 16
_NCH = _ROWS_W // _CR
_NX = 4
_NIT = _NCH * _B

_scratch = (
    [pltpu.VMEM((_CR, _D), jnp.float32) for _ in range(2)]
    + [pltpu.VMEM((_CR, _D), jnp.float32) for _ in range(_NX)]
    + [pltpu.SemaphoreType.DMA for _ in range(2 + 2 * _NX)]
)


@functools.partial(
    pl.kernel,
    out_type=jax.ShapeDtypeStruct((_B, _S, _D), jnp.float32),
    mesh=plsc.VectorSubcoreMesh(core_axis_name="c", subcore_axis_name="s"),
    scratch_types=_scratch,
    compiler_params=pltpu.CompilerParams(use_tc_tiling_on_sc=True),
)
def _pos_enc(x_hbm, t_hbm, out_hbm, *sc):
    tb = list(sc[0:2])
    xb = list(sc[2 : 2 + _NX])
    tsem = list(sc[2 + _NX : 4 + _NX])
    xsem = list(sc[4 + _NX : 4 + _NX + _NX])
    osem = list(sc[4 + 2 * _NX : 4 + 3 * _NX])

    wid = lax.axis_index("s") * _NC + lax.axis_index("c")
    base = wid * _ROWS_W

    def s0_of(ci):
        return base + ci * _CR

    def start_tab(ci):
        return pltpu.async_copy(
            t_hbm.at[pl.ds(s0_of(ci), _CR), :], tb[ci % 2], tsem[ci % 2]
        )

    def start_in(i):
        ci, b, sl = i // _B, i % _B, i % _NX
        return pltpu.async_copy(
            x_hbm.at[b, pl.ds(s0_of(ci), _CR), :], xb[sl], xsem[sl]
        )

    def start_out(i):
        ci, b, sl = i // _B, i % _B, i % _NX
        return pltpu.async_copy(
            xb[sl], out_hbm.at[b, pl.ds(s0_of(ci), _CR), :], osem[sl]
        )

    tab_d = {0: start_tab(0), 1: start_tab(1)}
    in_d = {i: start_in(i) for i in range(_NX - 2)}
    out_d = {}
    for i in range(_NIT):
        ci = i // _B
        if i - 2 >= 0:
            out_d.pop(i - 2).wait()
        if i + _NX - 2 < _NIT:
            in_d[i + _NX - 2] = start_in(i + _NX - 2)
        in_d.pop(i).wait()
        if i % _B == 0:
            tab_d.pop(ci).wait()

        sl = i % _NX
        tref = tb[ci % 2]

        @pl.loop(0, _CR)
        def _row(r):
            @plsc.parallel_loop(0, _D, step=16, unroll=8)
            def _vec(c):
                csl = pl.ds(c, 16)
                plsc.addupdate(xb[sl].at[r, csl], tref[r, csl])

        out_d[i] = start_out(i)
        if i % _B == _B - 1 and ci + 2 < _NCH:
            tab_d[ci + 2] = start_tab(ci + 2)

    for i in range(max(0, _NIT - 2), _NIT):
        out_d.pop(i).wait()


def kernel(x, table):
    return _pos_enc(x, table)

# --- scband reference (transcript-rebuilt; emitter-appended) ---
"""Pipeline reference for scband-positional-encoding-48369921687744 (READ-ONLY COPY).

The authoritative reference and input builder live on the scoring server;
editing this copy changes nothing except your own understanding.
"""

import jax, jax.numpy as jnp
import numpy as np

B, S, D = 4, 2048, 1024
MAX_LEN = 2048

def setup_inputs(seed: int = 0) -> dict:
    key = jax.random.key(seed)
    k1, k2 = jax.random.split(key)
    x = jax.random.normal(k1, (B, S, D), dtype=jnp.float32)
    table = jax.random.normal(k2, (MAX_LEN, D), dtype=jnp.float32) * 0.02
    return {"x": x, "table": table}

def reference(x, table):
    batch_size, seq_len, _ = x.shape
    positions = jnp.tile(jnp.arange(seq_len, dtype=jnp.int32)[None, :], (batch_size, 1))
    pos_emb = jnp.take(table, positions, axis=0)  # [B, S, D]
    out = x + pos_emb
    # dropout p=0.0 (eval / identity)
    return out

if __name__ == "__main__":
    import jax
    _d = setup_inputs()
    print(jax.jit(kernel)(*tuple(_d.values())))

</pallas_src>

<mosaic_0001>
#map = affine_map<(d0, d1) -> (0, 0, 0)>
#map1 = affine_map<(d0, d1) -> (0, 0)>
module attributes {stable_mosaic.version = 14 : i64} {
  func.func @_pos_enc(%arg0: i32, %arg1: i32, %arg2: memref<4x2048x1024xf32, #tpu.memory_space<hbm>>, %arg3: memref<2048x1024xf32, #tpu.memory_space<hbm>>, %arg4: memref<4x2048x1024xf32, #tpu.memory_space<hbm>>, %arg5: memref<16x1024xf32, #tpu.memory_space<vmem>>, %arg6: memref<16x1024xf32, #tpu.memory_space<vmem>>, %arg7: memref<16x1024xf32, #tpu.memory_space<vmem>>, %arg8: memref<16x1024xf32, #tpu.memory_space<vmem>>, %arg9: memref<16x1024xf32, #tpu.memory_space<vmem>>, %arg10: memref<16x1024xf32, #tpu.memory_space<vmem>>, %arg11: memref<!tpu.dma_semaphore, #tpu.memory_space<semaphore_mem>>, %arg12: memref<!tpu.dma_semaphore, #tpu.memory_space<semaphore_mem>>, %arg13: memref<!tpu.dma_semaphore, #tpu.memory_space<semaphore_mem>>, %arg14: memref<!tpu.dma_semaphore, #tpu.memory_space<semaphore_mem>>, %arg15: memref<!tpu.dma_semaphore, #tpu.memory_space<semaphore_mem>>, %arg16: memref<!tpu.dma_semaphore, #tpu.memory_space<semaphore_mem>>, %arg17: memref<!tpu.dma_semaphore, #tpu.memory_space<semaphore_mem>>, %arg18: memref<!tpu.dma_semaphore, #tpu.memory_space<semaphore_mem>>, %arg19: memref<!tpu.dma_semaphore, #tpu.memory_space<semaphore_mem>>, %arg20: memref<!tpu.dma_semaphore, #tpu.memory_space<semaphore_mem>>) attributes {dimension_semantics = [#tpu.dimension_semantics<core_parallel>, #tpu.dimension_semantics<subcore_parallel>], iteration_bounds = array<i64: 2, 16>, scalar_prefetch = 0 : i64, scratch_operands = 16 : i64, tpu.core_type = #tpu.core_type<sc_vector_subcore>, window_params = [{transform_indices = #map}, {transform_indices = #map1}, {transform_indices = #map}]} {
    %mul3A = arith.constant 2 : i32
    %mul3A_0 = arith.muli %arg1, %mul3A : i32
    %add3A = arith.addi %mul3A_0, %arg0 : i32
    %mul3A_1 = arith.constant 64 : i32
    %mul3A_2 = arith.muli %add3A, %mul3A_1 : i32
    %add3A_3 = arith.constant 0 : i32
    %add3A_4 = arith.addi %mul3A_2, %add3A_3 : i32
    %dma_start3A = arith.constant 0 : i32
    %dma_start3A_5 = tpu.memref_slice %arg3[%add3A_4, %dma_start3A] : memref<2048x1024xf32, #tpu.memory_space<hbm>> -> memref<16x1024xf32, #tpu.memory_space<hbm>>
    %dma_start3A_6 = arith.constant 0 : i32
    %dma_start3A_7 = tpu.memref_slice %arg3[%add3A_4, %dma_start3A_6] : memref<2048x1024xf32, #tpu.memory_space<hbm>> -> memref<16x1024xf32, #tpu.memory_space<hbm>>
    tpu.enqueue_dma source(%dma_start3A_7 : memref<16x1024xf32, #tpu.memory_space<hbm>>) target(%arg5 : memref<16x1024xf32, #tpu.memory_space<vmem>>) target_semaphore(%arg11 : memref<!tpu.dma_semaphore, #tpu.memory_space<semaphore_mem>>)
    %add3A_8 = arith.constant 16 : i32
    %add3A_9 = arith.addi %mul3A_2, %add3A_8 : i32
    %dma_start3A_10 = arith.constant 0 : i32
    %dma_start3A_11 = tpu.memref_slice %arg3[%add3A_9, %dma_start3A_10] : memref<2048x1024xf32, #tpu.memory_space<hbm>> -> memref<16x1024xf32, #tpu.memory_space<hbm>>
    %dma_start3A_12 = arith.constant 0 : i32
    %dma_start3A_13 = tpu.memref_slice %arg3[%add3A_9, %dma_start3A_12] : memref<2048x1024xf32, #tpu.memory_space<hbm>> -> memref<16x1024xf32, #tpu.memory_space<hbm>>
    tpu.enqueue_dma source(%dma_start3A_13 : memref<16x1024xf32, #tpu.memory_space<hbm>>) target(%arg6 : memref<16x1024xf32, #tpu.memory_space<vmem>>) target_semaphore(%arg12 : memref<!tpu.dma_semaphore, #tpu.memory_space<semaphore_mem>>)
    %add3A_14 = arith.constant 0 : i32
    %add3A_15 = arith.addi %mul3A_2, %add3A_14 : i32
    %dma_start3A_16 = arith.constant 0 : i32
    %dma_start3A_17 = arith.constant 0 : i32
    %dma_start3A_18 = tpu.memref_slice %arg2[%dma_start3A_16, %add3A_15, %dma_start3A_17] : memref<4x2048x1024xf32, #tpu.memory_space<hbm>> -> memref<1x16x1024xf32, #tpu.memory_space<hbm>>
    %dma_start3A_19 = tpu.memref_squeeze %dma_start3A_18 : memref<1x16x1024xf32, #tpu.memory_space<hbm>> -> memref<16x1024xf32, #tpu.memory_space<hbm>>
    %dma_start3A_20 = arith.constant 0 : i32
    %dma_start3A_21 = tpu.memref_slice %arg2[%dma_start3A_16, %add3A_15, %dma_start3A_20] : memref<4x2048x1024xf32, #tpu.memory_space<hbm>> -> memref<1x16x1024xf32, #tpu.memory_space<hbm>>
    %dma_start3A_22 = tpu.memref_squeeze %dma_start3A_21 : memref<1x16x1024xf32, #tpu.memory_space<hbm>> -> memref<16x1024xf32, #tpu.memory_space<hbm>>
    tpu.enqueue_dma source(%dma_start3A_22 : memref<16x1024xf32, #tpu.memory_space<hbm>>) target(%arg7 : memref<16x1024xf32, #tpu.memory_space<vmem>>) target_semaphore(%arg13 : memref<!tpu.dma_semaphore, #tpu.memory_space<semaphore_mem>>)
    %add3A_23 = arith.constant 0 : i32
    %add3A_24 = arith.addi %mul3A_2, %add3A_23 : i32
    %dma_start3A_25 = arith.constant 1 : i32
    %dma_start3A_26 = arith.constant 0 : i32
    %dma_start3A_27 = tpu.memref_slice %arg2[%dma_start3A_25, %add3A_24, %dma_start3A_26] : memref<4x2048x1024xf32, #tpu.memory_space<hbm>> -> memref<1x16x1024xf32, #tpu.memory_space<hbm>>
    %dma_start3A_28 = tpu.memref_squeeze %dma_start3A_27 : memref<1x16x1024xf32, #tpu.memory_space<hbm>> -> memref<16x1024xf32, #tpu.memory_space<hbm>>
    %dma_start3A_29 = arith.constant 0 : i32
    %dma_start3A_30 = tpu.memref_slice %arg2[%dma_start3A_25, %add3A_24, %dma_start3A_29] : memref<4x2048x1024xf32, #tpu.memory_space<hbm>> -> memref<1x16x1024xf32, #tpu.memory_space<hbm>>
    %dma_start3A_31 = tpu.memref_squeeze %dma_start3A_30 : memref<1x16x1024xf32, #tpu.memory_space<hbm>> -> memref<16x1024xf32, #tpu.memory_space<hbm>>
    tpu.enqueue_dma source(%dma_start3A_31 : memref<16x1024xf32, #tpu.memory_space<hbm>>) target(%arg8 : memref<16x1024xf32, #tpu.memory_space<vmem>>) target_semaphore(%arg14 : memref<!tpu.dma_semaphore, #tpu.memory_space<semaphore_mem>>)
    %add3A_32 = arith.constant 0 : i32
    %add3A_33 = arith.addi %mul3A_2, %add3A_32 : i32
    %dma_start3A_34 = arith.constant 2 : i32
    %dma_start3A_35 = arith.constant 0 : i32
    %dma_start3A_36 = tpu.memref_slice %arg2[%dma_start3A_34, %add3A_33, %dma_start3A_35] : memref<4x2048x1024xf32, #tpu.memory_space<hbm>> -> memref<1x16x1024xf32, #tpu.memory_space<hbm>>
    %dma_start3A_37 = tpu.memref_squeeze %dma_start3A_36 : memref<1x16x1024xf32, #tpu.memory_space<hbm>> -> memref<16x1024xf32, #tpu.memory_space<hbm>>
    %dma_start3A_38 = arith.constant 0 : i32
    %dma_start3A_39 = tpu.memref_slice %arg2[%dma_start3A_34, %add3A_33, %dma_start3A_38] : memref<4x2048x1024xf32, #tpu.memory_space<hbm>> -> memref<1x16x1024xf32, #tpu.memory_space<hbm>>
    %dma_start3A_40 = tpu.memref_squeeze %dma_start3A_39 : memref<1x16x1024xf32, #tpu.memory_space<hbm>> -> memref<16x1024xf32, #tpu.memory_space<hbm>>
    tpu.enqueue_dma source(%dma_start3A_40 : memref<16x1024xf32, #tpu.memory_space<hbm>>) target(%arg9 : memref<16x1024xf32, #tpu.memory_space<vmem>>) target_semaphore(%arg15 : memref<!tpu.dma_semaphore, #tpu.memory_space<semaphore_mem>>)
    %dma_wait3A = arith.constant 0 : i32
    %dma_wait3A_41 = arith.constant 0 : i32
    %dma_wait3A_42 = tpu.memref_slice %arg2[%dma_wait3A, %add3A_15, %dma_wait3A_41] : memref<4x2048x1024xf32, #tpu.memory_space<hbm>> -> memref<1x16x1024xf32, #tpu.memory_space<hbm>>
    %dma_wait3A_43 = tpu.memref_squeeze %dma_wait3A_42 : memref<1x16x1024xf32, #tpu.memory_space<hbm>> -> memref<16x1024xf32, #tpu.memory_space<hbm>>
    %dma_wait3A_44 = arith.constant 0 : i32
    %dma_wait3A_45 = tpu.memref_slice %arg2[%dma_wait3A, %add3A_15, %dma_wait3A_44] : memref<4x2048x1024xf32, #tpu.memory_space<hbm>> -> memref<1x16x1024xf32, #tpu.memory_space<hbm>>
    %dma_wait3A_46 = tpu.memref_squeeze %dma_wait3A_45 : memref<1x16x1024xf32, #tpu.memory_space<hbm>> -> memref<16x1024xf32, #tpu.memory_space<hbm>>
    tpu.wait_dma2 semaphore(%arg13 : memref<!tpu.dma_semaphore, #tpu.memory_space<semaphore_mem>>) src(%dma_wait3A_46 : memref<16x1024xf32, #tpu.memory_space<hbm>>) dst(%arg7 : memref<16x1024xf32, #tpu.memory_space<vmem>>)
    %dma_wait3A_47 = arith.constant 0 : i32
    %dma_wait3A_48 = tpu.memref_slice %arg3[%add3A_4, %dma_wait3A_47] : memref<2048x1024xf32, #tpu.memory_space<hbm>> -> memref<16x1024xf32, #tpu.memory_space<hbm>>
    %dma_wait3A_49 = arith.constant 0 : i32
    %dma_wait3A_50 = tpu.memref_slice %arg3[%add3A_4, %dma_wait3A_49] : memref<2048x1024xf32, #tpu.memory_space<hbm>> -> memref<16x1024xf32, #tpu.memory_space<hbm>>
    tpu.wait_dma2 semaphore(%arg11 : memref<!tpu.dma_semaphore, #tpu.memory_space<semaphore_mem>>) src(%dma_wait3A_50 : memref<16x1024xf32, #tpu.memory_space<hbm>>) dst(%arg5 : memref<16x1024xf32, #tpu.memory_space<vmem>>)
    %scan3A = arith.constant 0 : i32
    %scan3A_51 = arith.constant 16 : i32
    %scan3A_52 = arith.addi %scan3A, %scan3A_51 : i32
    %scan3A_53 = arith.constant 1 : i32
    scf.for %scan3A_632 = %scan3A to %scan3A_52 step %scan3A_53  : i32 {
      %mul3A_633 = arith.constant 1 : i32
      %mul3A_634 = arith.muli %scan3A_632, %mul3A_633 : i32
      %add3A_635 = arith.constant 0 : i32
      %add3A_636 = arith.addi %add3A_635, %mul3A_634 : i32
      %parallel_loop3A = arith.constant 0 : i32
      %parallel_loop3A_637 = arith.constant 1024 : i32
      %parallel_loop3A_638 = arith.constant 16 : i32
      scf.for %parallel_loop3A_639 = %parallel_loop3A to %parallel_loop3A_637 step %parallel_loop3A_638  : i32 {
        %parallel_loop3A_640 = arith.index_cast %add3A_636 : i32 to index
        %parallel_loop3A_641 = arith.index_cast %parallel_loop3A_639 : i32 to index
        %parallel_loop3A_642 = tpu.vector_load %arg5[%parallel_loop3A_640, %parallel_loop3A_641] {strides = array<i32>} : memref<16x1024xf32, #tpu.memory_space<vmem>>, vector<1x16xf32>,
        %parallel_loop3A_643 = vector.shape_cast %parallel_loop3A_642 : vector<1x16xf32> to vector<16xf32>
        %parallel_loop3A_644 = arith.index_cast %add3A_636 : i32 to index
        %parallel_loop3A_645 = arith.index_cast %parallel_loop3A_639 : i32 to index
        %parallel_loop3A_646 = tpu.vector_load %arg7[%parallel_loop3A_644, %parallel_loop3A_645] {strides = array<i32>} : memref<16x1024xf32, #tpu.memory_space<vmem>>, vector<1x16xf32>,
        %parallel_loop3A_647 = vector.shape_cast %parallel_loop3A_646 : vector<1x16xf32> to vector<16xf32>
        %parallel_loop3A_648 = vector.shape_cast %parallel_loop3A_643 : vector<16xf32> to vector<1x16xf32>
        tpu.vector_store %arg7[%parallel_loop3A_644, %parallel_loop3A_645], %parallel_loop3A_648 {add = true, strides = array<i32>} : memref<16x1024xf32, #tpu.memory_space<vmem>>, vector<1x16xf32>,
      } {sc.loop_unroll_factor = 8 : i64, sc.parallel_access}
    }
    %scan3A_54 = arith.constant 16 : i32
    %add3A_55 = arith.constant 0 : i32
    %add3A_56 = arith.addi %mul3A_2, %add3A_55 : i32
    %dma_start3A_57 = arith.constant 0 : i32
    %dma_start3A_58 = arith.constant 0 : i32
    %dma_start3A_59 = tpu.memref_slice %arg4[%dma_start3A_57, %add3A_56, %dma_start3A_58] : memref<4x2048x1024xf32, #tpu.memory_space<hbm>> -> memref<1x16x1024xf32, #tpu.memory_space<hbm>>
    %dma_start3A_60 = tpu.memref_squeeze %dma_start3A_59 : memref<1x16x1024xf32, #tpu.memory_space<hbm>> -> memref<16x1024xf32, #tpu.memory_space<hbm>>
    %dma_start3A_61 = arith.constant 0 : i32
    %dma_start3A_62 = tpu.memref_slice %arg4[%dma_start3A_57, %add3A_56, %dma_start3A_61] : memref<4x2048x1024xf32, #tpu.memory_space<hbm>> -> memref<1x16x1024xf32, #tpu.memory_space<hbm>>
    %dma_start3A_63 = tpu.memref_squeeze %dma_start3A_62 : memref<1x16x1024xf32, #tpu.memory_space<hbm>> -> memref<16x1024xf32, #tpu.memory_space<hbm>>
    tpu.enqueue_dma source(%arg7 : memref<16x1024xf32, #tpu.memory_space<vmem>>) target(%dma_start3A_63 : memref<16x1024xf32, #tpu.memory_space<hbm>>) target_semaphore(%arg17 : memref<!tpu.dma_semaphore, #tpu.memory_space<semaphore_mem>>)
    %add3A_64 = arith.constant 0 : i32
    %add3A_65 = arith.addi %mul3A_2, %add3A_64 : i32
    %dma_start3A_66 = arith.constant 3 : i32
    %dma_start3A_67 = arith.constant 0 : i32
    %dma_start3A_68 = tpu.memref_slice %arg2[%dma_start3A_66, %add3A_65, %dma_start3A_67] : memref<4x2048x1024xf32, #tpu.memory_space<hbm>> -> memref<1x16x1024xf32, #tpu.memory_space<hbm>>
    %dma_start3A_69 = tpu.memref_squeeze %dma_start3A_68 : memref<1x16x1024xf32, #tpu.memory_space<hbm>> -> memref<16x1024xf32, #tpu.memory_space<hbm>>
    %dma_start3A_70 = arith.constant 0 : i32
    %dma_start3A_71 = tpu.memref_slice %arg2[%dma_start3A_66, %add3A_65, %dma_start3A_70] : memref<4x2048x1024xf32, #tpu.memory_space<hbm>> -> memref<1x16x1024xf32, #tpu.memory_space<hbm>>
    %dma_start3A_72 = tpu.memref_squeeze %dma_start3A_71 : memref<1x16x1024xf32, #tpu.memory_space<hbm>> -> memref<16x1024xf32, #tpu.memory_space<hbm>>
    tpu.enqueue_dma source(%dma_start3A_72 : memref<16x1024xf32, #tpu.memory_space<hbm>>) target(%arg10 : memref<16x1024xf32, #tpu.memory_space<vmem>>) target_semaphore(%arg16 : memref<!tpu.dma_semaphore, #tpu.memory_space<semaphore_mem>>)
    %dma_wait3A_73 = arith.constant 1 : i32
    %dma_wait3A_74 = arith.constant 0 : i32
    %dma_wait3A_75 = tpu.memref_slice %arg2[%dma_wait3A_73, %add3A_24, %dma_wait3A_74] : memref<4x2048x1024xf32, #tpu.memory_space<hbm>> -> memref<1x16x1024xf32, #tpu.memory_space<hbm>>
    %dma_wait3A_76 = tpu.memref_squeeze %dma_wait3A_75 : memref<1x16x1024xf32, #tpu.memory_space<hbm>> -> memref<16x1024xf32, #tpu.memory_space<hbm>>
    %dma_wait3A_77 = arith.constant 0 : i32
    %dma_wait3A_78 = tpu.memref_slice %arg2[%dma_wait3A_73, %add3A_24, %dma_wait3A_77] : memref<4x2048x1024xf32, #tpu.memory_space<hbm>> -> memref<1x16x1024xf32, #tpu.memory_space<hbm>>
    %dma_wait3A_79 = tpu.memref_squeeze %dma_wait3A_78 : memref<1x16x1024xf32, #tpu.memory_space<hbm>> -> memref<16x1024xf32, #tpu.memory_space<hbm>>
    tpu.wait_dma2 semaphore(%arg14 : memref<!tpu.dma_semaphore, #tpu.memory_space<semaphore_mem>>) src(%dma_wait3A_79 : memref<16x1024xf32, #tpu.memory_space<hbm>>) dst(%arg8 : memref<16x1024xf32, #tpu.memory_space<vmem>>)
    %scan3A_80 = arith.constant 0 : i32
    %scan3A_81 = arith.constant 16 : i32
    %scan3A_82 = arith.addi %scan3A_80, %scan3A_81 : i32
    %scan3A_83 = arith.constant 1 : i32
    scf.for %scan3A_632 = %scan3A_80 to %scan3A_82 step %scan3A_83  : i32 {
      %mul3A_633 = arith.constant 1 : i32
      %mul3A_634 = arith.muli %scan3A_632, %mul3A_633 : i32
      %add3A_635 = arith.constant 0 : i32
      %add3A_636 = arith.addi %add3A_635, %mul3A_634 : i32
      %parallel_loop3A = arith.constant 0 : i32
      %parallel_loop3A_637 = arith.constant 1024 : i32
      %parallel_loop3A_638 = arith.constant 16 : i32
      scf.for %parallel_loop3A_639 = %parallel_loop3A to %parallel_loop3A_637 step %parallel_loop3A_638  : i32 {
        %parallel_loop3A_640 = arith.index_cast %add3A_636 : i32 to index
        %parallel_loop3A_641 = arith.index_cast %parallel_loop3A_639 : i32 to index
        %parallel_loop3A_642 = tpu.vector_load %arg5[%parallel_loop3A_640, %parallel_loop3A_641] {strides = array<i32>} : memref<16x1024xf32, #tpu.memory_space<vmem>>, vector<1x16xf32>,
        %parallel_loop3A_643 = vector.shape_cast %parallel_loop3A_642 : vector<1x16xf32> to vector<16xf32>
        %parallel_loop3A_644 = arith.index_cast %add3A_636 : i32 to index
        %parallel_loop3A_645 = arith.index_cast %parallel_loop3A_639 : i32 to index
        %parallel_loop3A_646 = tpu.vector_load %arg8[%parallel_loop3A_644, %parallel_loop3A_645] {strides = array<i32>} : memref<16x1024xf32, #tpu.memory_space<vmem>>, vector<1x16xf32>,
        %parallel_loop3A_647 = vector.shape_cast %parallel_loop3A_646 : vector<1x16xf32> to vector<16xf32>
        %parallel_loop3A_648 = vector.shape_cast %parallel_loop3A_643 : vector<16xf32> to vector<1x16xf32>
        tpu.vector_store %arg8[%parallel_loop3A_644, %parallel_loop3A_645], %parallel_loop3A_648 {add = true, strides = array<i32>} : memref<16x1024xf32, #tpu.memory_space<vmem>>, vector<1x16xf32>,
      } {sc.loop_unroll_factor = 8 : i64, sc.parallel_access}
    }
    %scan3A_84 = arith.constant 16 : i32
    %add3A_85 = arith.constant 0 : i32
    %add3A_86 = arith.addi %mul3A_2, %add3A_85 : i32
    %dma_start3A_87 = arith.constant 1 : i32
    %dma_start3A_88 = arith.constant 0 : i32
    %dma_start3A_89 = tpu.memref_slice %arg4[%dma_start3A_87, %add3A_86, %dma_start3A_88] : memref<4x2048x1024xf32, #tpu.memory_space<hbm>> -> memref<1x16x1024xf32, #tpu.memory_space<hbm>>
    %dma_start3A_90 = tpu.memref_squeeze %dma_start3A_89 : memref<1x16x1024xf32, #tpu.memory_space<hbm>> -> memref<16x1024xf32, #tpu.memory_space<hbm>>
    %dma_start3A_91 = arith.constant 0 : i32
    %dma_start3A_92 = tpu.memref_slice %arg4[%dma_start3A_87, %add3A_86, %dma_start3A_91] : memref<4x2048x1024xf32, #tpu.memory_space<hbm>> -> memref<1x16x1024xf32, #tpu.memory_space<hbm>>
    %dma_start3A_93 = tpu.memref_squeeze %dma_start3A_92 : memref<1x16x1024xf32, #tpu.memory_space<hbm>> -> memref<16x1024xf32, #tpu.memory_space<hbm>>
    tpu.enqueue_dma source(%arg8 : memref<16x1024xf32, #tpu.memory_space<vmem>>) target(%dma_start3A_93 : memref<16x1024xf32, #tpu.memory_space<hbm>>) target_semaphore(%arg18 : memref<!tpu.dma_semaphore, #tpu.memory_space<semaphore_mem>>)
    %dma_wait3A_94 = arith.constant 0 : i32
    %dma_wait3A_95 = arith.constant 0 : i32
    %dma_wait3A_96 = tpu.memref_slice %arg4[%dma_wait3A_94, %add3A_56, %dma_wait3A_95] : memref<4x2048x1024xf32, #tpu.memory_space<hbm>> -> memref<1x16x1024xf32, #tpu.memory_space<hbm>>
    %dma_wait3A_97 = tpu.memref_squeeze %dma_wait3A_96 : memref<1x16x1024xf32, #tpu.memory_space<hbm>> -> memref<16x1024xf32, #tpu.memory_space<hbm>>
    %dma_wait3A_98 = arith.constant 0 : i32
    %dma_wait3A_99 = tpu.memref_slice %arg4[%dma_wait3A_94, %add3A_56, %dma_wait3A_98] : memref<4x2048x1024xf32, #tpu.memory_space<hbm>> -> memref<1x16x1024xf32, #tpu.memory_space<hbm>>
    %dma_wait3A_100 = tpu.memref_squeeze %dma_wait3A_99 : memref<1x16x1024xf32, #tpu.memory_space<hbm>> -> memref<16x1024xf32, #tpu.memory_space<hbm>>
    tpu.wait_dma2 semaphore(%arg17 : memref<!tpu.dma_semaphore, #tpu.memory_space<semaphore_mem>>) src(%arg7 : memref<16x1024xf32, #tpu.memory_space<vmem>>) dst(%dma_wait3A_100 : memref<16x1024xf32, #tpu.memory_space<hbm>>)
    %add3A_101 = arith.constant 16 : i32
    %add3A_102 = arith.addi %mul3A_2, %add3A_101 : i32
    %dma_start3A_103 = arith.constant 0 : i32
    %dma_start3A_104 = arith.constant 0 : i32
    %dma_start3A_105 = tpu.memref_slice %arg2[%dma_start3A_103, %add3A_102, %dma_start3A_104] : memref<4x2048x1024xf32, #tpu.memory_space<hbm>> -> memref<1x16x1024xf32, #tpu.memory_space<hbm>>
    %dma_start3A_106 = tpu.memref_squeeze %dma_start3A_105 : memref<1x16x1024xf32, #tpu.memory_space<hbm>> -> memref<16x1024xf32, #tpu.memory_space<hbm>>
    %dma_start3A_107 = arith.constant 0 : i32
    %dma_start3A_108 = tpu.memref_slice %arg2[%dma_start3A_103, %add3A_102, %dma_start3A_107] : memref<4x2048x1024xf32, #tpu.memory_space<hbm>> -> memref<1x16x1024xf32, #tpu.memory_space<hbm>>
    %dma_start3A_109 = tpu.memref_squeeze %dma_start3A_108 : memref<1x16x1024xf32, #tpu.memory_space<hbm>> -> memref<16x1024xf32, #tpu.memory_space<hbm>>
    tpu.enqueue_dma source(%dma_start3A_109 : memref<16x1024xf32, #tpu.memory_space<hbm>>) target(%arg7 : memref<16x1024xf32, #tpu.memory_space<vmem>>) target_semaphore(%arg13 : memref<!tpu.dma_semaphore, #tpu.memory_space<semaphore_mem>>)
    %dma_wait3A_110 = arith.constant 2 : i32
    %dma_wait3A_111 = arith.constant 0 : i32
    %dma_wait3A_112 = tpu.memref_slice %arg2[%dma_wait3A_110, %add3A_33, %dma_wait3A_111] : memref<4x2048x1024xf32, #tpu.memory_space<hbm>> -> memref<1x16x1024xf32, #tpu.memory_space<hbm>>
    %dma_wait3A_113 = tpu.memref_squeeze %dma_wait3A_112 : memref<1x16x1024xf32, #tpu.memory_space<hbm>> -> memref<16x1024xf32, #tpu.memory_space<hbm>>
    %dma_wait3A_114 = arith.constant 0 : i32
    %dma_wait3A_115 = tpu.memref_slice %arg2[%dma_wait3A_110, %add3A_33, %dma_wait3A_114] : memref<4x2048x1024xf32, #tpu.memory_space<hbm>> -> memref<1x16x1024xf32, #tpu.memory_space<hbm>>
    %dma_wait3A_116 = tpu.memref_squeeze %dma_wait3A_115 : memref<1x16x1024xf32, #tpu.memory_space<hbm>> -> memref<16x1024xf32, #tpu.memory_space<hbm>>
    tpu.wait_dma2 semaphore(%arg15 : memref<!tpu.dma_semaphore, #tpu.memory_space<semaphore_mem>>) src(%dma_wait3A_116 : memref<16x1024xf32, #tpu.memory_space<hbm>>) dst(%arg9 : memref<16x1024xf32, #tpu.memory_space<vmem>>)
    %scan3A_117 = arith.constant 0 : i32
    %scan3A_118 = arith.constant 16 : i32
    %scan3A_119 = arith.addi %scan3A_117, %scan3A_118 : i32
    %scan3A_120 = arith.constant 1 : i32
    scf.for %scan3A_632 = %scan3A_117 to %scan3A_119 step %scan3A_120  : i32 {
      %mul3A_633 = arith.constant 1 : i32
      %mul3A_634 = arith.muli %scan3A_632, %mul3A_633 : i32
      %add3A_635 = arith.constant 0 : i32
      %add3A_636 = arith.addi %add3A_635, %mul3A_634 : i32
      %parallel_loop3A = arith.constant 0 : i32
      %parallel_loop3A_637 = arith.constant 1024 : i32
      %parallel_loop3A_638 = arith.constant 16 : i32
      scf.for %parallel_loop3A_639 = %parallel_loop3A to %parallel_loop3A_637 step %parallel_loop3A_638  : i32 {
        %parallel_loop3A_640 = arith.index_cast %add3A_636 : i32 to index
        %parallel_loop3A_641 = arith.index_cast %parallel_loop3A_639 : i32 to index
        %parallel_loop3A_642 = tpu.vector_load %arg5[%parallel_loop3A_640, %parallel_loop3A_641] {strides = array<i32>} : memref<16x1024xf32, #tpu.memory_space<vmem>>, vector<1x16xf32>,
        %parallel_loop3A_643 = vector.shape_cast %parallel_loop3A_642 : vector<1x16xf32> to vector<16xf32>
        %parallel_loop3A_644 = arith.index_cast %add3A_636 : i32 to index
        %parallel_loop3A_645 = arith.index_cast %parallel_loop3A_639 : i32 to index
        %parallel_loop3A_646 = tpu.vector_load %arg9[%parallel_loop3A_644, %parallel_loop3A_645] {strides = array<i32>} : memref<16x1024xf32, #tpu.memory_space<vmem>>, vector<1x16xf32>,
        %parallel_loop3A_647 = vector.shape_cast %parallel_loop3A_646 : vector<1x16xf32> to vector<16xf32>
        %parallel_loop3A_648 = vector.shape_cast %parallel_loop3A_643 : vector<16xf32> to vector<1x16xf32>
        tpu.vector_store %arg9[%parallel_loop3A_644, %parallel_loop3A_645], %parallel_loop3A_648 {add = true, strides = array<i32>} : memref<16x1024xf32, #tpu.memory_space<vmem>>, vector<1x16xf32>,
      } {sc.loop_unroll_factor = 8 : i64, sc.parallel_access}
    }
    %scan3A_121 = arith.constant 16 : i32
    %add3A_122 = arith.constant 0 : i32
    %add3A_123 = arith.addi %mul3A_2, %add3A_122 : i32
    %dma_start3A_124 = arith.constant 2 : i32
    %dma_start3A_125 = arith.constant 0 : i32
    %dma_start3A_126 = tpu.memref_slice %arg4[%dma_start3A_124, %add3A_123, %dma_start3A_125] : memref<4x2048x1024xf32, #tpu.memory_space<hbm>> -> memref<1x16x1024xf32, #tpu.memory_space<hbm>>
    %dma_start3A_127 = tpu.memref_squeeze %dma_start3A_126 : memref<1x16x1024xf32, #tpu.memory_space<hbm>> -> memref<16x1024xf32, #tpu.memory_space<hbm>>
    %dma_start3A_128 = arith.constant 0 : i32
    %dma_start3A_129 = tpu.memref_slice %arg4[%dma_start3A_124, %add3A_123, %dma_start3A_128] : memref<4x2048x1024xf32, #tpu.memory_space<hbm>> -> memref<1x16x1024xf32, #tpu.memory_space<hbm>>
    %dma_start3A_130 = tpu.memref_squeeze %dma_start3A_129 : memref<1x16x1024xf32, #tpu.memory_space<hbm>> -> memref<16x1024xf32, #tpu.memory_space<hbm>>
    tpu.enqueue_dma source(%arg9 : memref<16x1024xf32, #tpu.memory_space<vmem>>) target(%dma_start3A_130 : memref<16x1024xf32, #tpu.memory_space<hbm>>) target_semaphore(%arg19 : memref<!tpu.dma_semaphore, #tpu.memory_space<semaphore_mem>>)
    %dma_wait3A_131 = arith.constant 1 : i32
    %dma_wait3A_132 = arith.constant 0 : i32
    %dma_wait3A_133 = tpu.memref_slice %arg4[%dma_wait3A_131, %add3A_86, %dma_wait3A_132] : memref<4x2048x1024xf32, #tpu.memory_space<hbm>> -> memref<1x16x1024xf32, #tpu.memory_space<hbm>>
    %dma_wait3A_134 = tpu.memref_squeeze %dma_wait3A_133 : memref<1x16x1024xf32, #tpu.memory_space<hbm>> -> memref<16x1024xf32, #tpu.memory_space<hbm>>
    %dma_wait3A_135 = arith.constant 0 : i32
    %dma_wait3A_136 = tpu.memref_slice %arg4[%dma_wait3A_131, %add3A_86, %dma_wait3A_135] : memref<4x2048x1024xf32, #tpu.memory_space<hbm>> -> memref<1x16x1024xf32, #tpu.memory_space<hbm>>
    %dma_wait3A_137 = tpu.memref_squeeze %dma_wait3A_136 : memref<1x16x1024xf32, #tpu.memory_space<hbm>> -> memref<16x1024xf32, #tpu.memory_space<hbm>>
    tpu.wait_dma2 semaphore(%arg18 : memref<!tpu.dma_semaphore, #tpu.memory_space<semaphore_mem>>) src(%arg8 : memref<16x1024xf32, #tpu.memory_space<vmem>>) dst(%dma_wait3A_137 : memref<16x1024xf32, #tpu.memory_space<hbm>>)
    %add3A_138 = arith.constant 16 : i32
    %add3A_139 = arith.addi %mul3A_2, %add3A_138 : i32
    %dma_start3A_140 = arith.constant 1 : i32
    %dma_start3A_141 = arith.constant 0 : i32
    %dma_start3A_142 = tpu.memref_slice %arg2[%dma_start3A_140, %add3A_139, %dma_start3A_141] : memref<4x2048x1024xf32, #tpu.memory_space<hbm>> -> memref<1x16x1024xf32, #tpu.memory_space<hbm>>
    %dma_start3A_143 = tpu.memref_squeeze %dma_start3A_142 : memref<1x16x1024xf32, #tpu.memory_space<hbm>> -> memref<16x1024xf32, #tpu.memory_space<hbm>>
    %dma_start3A_144 = arith.constant 0 : i32
    %dma_start3A_145 = tpu.memref_slice %arg2[%dma_start3A_140, %add3A_139, %dma_start3A_144] : memref<4x2048x1024xf32, #tpu.memory_space<hbm>> -> memref<1x16x1024xf32, #tpu.memory_space<hbm>>
    %dma_start3A_146 = tpu.memref_squeeze %dma_start3A_145 : memref<1x16x1024xf32, #tpu.memory_space<hbm>> -> memref<16x1024xf32, #tpu.memory_space<hbm>>
    tpu.enqueue_dma source(%dma_start3A_146 : memref<16x1024xf32, #tpu.memory_space<hbm>>) target(%arg8 : memref<16x1024xf32, #tpu.memory_space<vmem>>) target_semaphore(%arg14 : memref<!tpu.dma_semaphore, #tpu.memory_space<semaphore_mem>>)
    %dma_wait3A_147 = arith.constant 3 : i32
    %dma_wait3A_148 = arith.constant 0 : i32
    %dma_wait3A_149 = tpu.memref_slice %arg2[%dma_wait3A_147, %add3A_65, %dma_wait3A_148] : memref<4x2048x1024xf32, #tpu.memory_space<hbm>> -> memref<1x16x1024xf32, #tpu.memory_space<hbm>>
    %dma_wait3A_150 = tpu.memref_squeeze %dma_wait3A_149 : memref<1x16x1024xf32, #tpu.memory_space<hbm>> -> memref<16x1024xf32, #tpu.memory_space<hbm>>
    %dma_wait3A_151 = arith.constant 0 : i32
    %dma_wait3A_152 = tpu.memref_slice %arg2[%dma_wait3A_147, %add3A_65, %dma_wait3A_151] : memref<4x2048x1024xf32, #tpu.memory_space<hbm>> -> memref<1x16x1024xf32, #tpu.memory_space<hbm>>
    %dma_wait3A_153 = tpu.memref_squeeze %dma_wait3A_152 : memref<1x16x1024xf32, #tpu.memory_space<hbm>> -> memref<16x1024xf32, #tpu.memory_space<hbm>>
    tpu.wait_dma2 semaphore(%arg16 : memref<!tpu.dma_semaphore, #tpu.memory_space<semaphore_mem>>) src(%dma_wait3A_153 : memref<16x1024xf32, #tpu.memory_space<hbm>>) dst(%arg10 : memref<16x1024xf32, #tpu.memory_space<vmem>>)
    %scan3A_154 = arith.constant 0 : i32
    %scan3A_155 = arith.constant 16 : i32
    %scan3A_156 = arith.addi %scan3A_154, %scan3A_155 : i32
    %scan3A_157 = arith.constant 1 : i32
    scf.for %scan3A_632 = %scan3A_154 to %scan3A_156 step %scan3A_157  : i32 {
      %mul3A_633 = arith.constant 1 : i32
      %mul3A_634 = arith.muli %scan3A_632, %mul3A_633 : i32
      %add3A_635 = arith.constant 0 : i32
      %add3A_636 = arith.addi %add3A_635, %mul3A_634 : i32
      %parallel_loop3A = arith.constant 0 : i32
      %parallel_loop3A_637 = arith.constant 1024 : i32
      %parallel_loop3A_638 = arith.constant 16 : i32
      scf.for %parallel_loop3A_639 = %parallel_loop3A to %parallel_loop3A_637 step %parallel_loop3A_638  : i32 {
        %parallel_loop3A_640 = arith.index_cast %add3A_636 : i32 to index
        %parallel_loop3A_641 = arith.index_cast %parallel_loop3A_639 : i32 to index
        %parallel_loop3A_642 = tpu.vector_load %arg5[%parallel_loop3A_640, %parallel_loop3A_641] {strides = array<i32>} : memref<16x1024xf32, #tpu.memory_space<vmem>>, vector<1x16xf32>,
        %parallel_loop3A_643 = vector.shape_cast %parallel_loop3A_642 : vector<1x16xf32> to vector<16xf32>
        %parallel_loop3A_644 = arith.index_cast %add3A_636 : i32 to index
        %parallel_loop3A_645 = arith.index_cast %parallel_loop3A_639 : i32 to index
        %parallel_loop3A_646 = tpu.vector_load %arg10[%parallel_loop3A_644, %parallel_loop3A_645] {strides = array<i32>} : memref<16x1024xf32, #tpu.memory_space<vmem>>, vector<1x16xf32>,
        %parallel_loop3A_647 = vector.shape_cast %parallel_loop3A_646 : vector<1x16xf32> to vector<16xf32>
        %parallel_loop3A_648 = vector.shape_cast %parallel_loop3A_643 : vector<16xf32> to vector<1x16xf32>
        tpu.vector_store %arg10[%parallel_loop3A_644, %parallel_loop3A_645], %parallel_loop3A_648 {add = true, strides = array<i32>} : memref<16x1024xf32, #tpu.memory_space<vmem>>, vector<1x16xf32>,
      } {sc.loop_unroll_factor = 8 : i64, sc.parallel_access}
    }
    %scan3A_158 = arith.constant 16 : i32
    %add3A_159 = arith.constant 0 : i32
    %add3A_160 = arith.addi %mul3A_2, %add3A_159 : i32
    %dma_start3A_161 = arith.constant 3 : i32
    %dma_start3A_162 = arith.constant 0 : i32
    %dma_start3A_163 = tpu.memref_slice %arg4[%dma_start3A_161, %add3A_160, %dma_start3A_162] : memref<4x2048x1024xf32, #tpu.memory_space<hbm>> -> memref<1x16x1024xf32, #tpu.memory_space<hbm>>
    %dma_start3A_164 = tpu.memref_squeeze %dma_start3A_163 : memref<1x16x1024xf32, #tpu.memory_space<hbm>> -> memref<16x1024xf32, #tpu.memory_space<hbm>>
    %dma_start3A_165 = arith.constant 0 : i32
    %dma_start3A_166 = tpu.memref_slice %arg4[%dma_start3A_161, %add3A_160, %dma_start3A_165] : memref<4x2048x1024xf32, #tpu.memory_space<hbm>> -> memref<1x16x1024xf32, #tpu.memory_space<hbm>>
    %dma_start3A_167 = tpu.memref_squeeze %dma_start3A_166 : memref<1x16x1024xf32, #tpu.memory_space<hbm>> -> memref<16x1024xf32, #tpu.memory_space<hbm>>
    tpu.enqueue_dma source(%arg10 : memref<16x1024xf32, #tpu.memory_space<vmem>>) target(%dma_start3A_167 : memref<16x1024xf32, #tpu.memory_space<hbm>>) target_semaphore(%arg20 : memref<!tpu.dma_semaphore, #tpu.memory_space<semaphore_mem>>)
    %add3A_168 = arith.constant 32 : i32
    %add3A_169 = arith.addi %mul3A_2, %add3A_168 : i32
    %dma_start3A_170 = arith.constant 0 : i32
    %dma_start3A_171 = tpu.memref_slice %arg3[%add3A_169, %dma_start3A_170] : memref<2048x1024xf32, #tpu.memory_space<hbm>> -> memref<16x1024xf32, #tpu.memory_space<hbm>>
    %dma_start3A_172 = arith.constant 0 : i32
    %dma_start3A_173 = tpu.memref_slice %arg3[%add3A_169, %dma_start3A_172] : memref<2048x1024xf32, #tpu.memory_space<hbm>> -> memref<16x1024xf32, #tpu.memory_space<hbm>>
    tpu.enqueue_dma source(%dma_start3A_173 : memref<16x1024xf32, #tpu.memory_space<hbm>>) target(%arg5 : memref<16x1024xf32, #tpu.memory_space<vmem>>) target_semaphore(%arg11 : memref<!tpu.dma_semaphore, #tpu.memory_space<semaphore_mem>>)
    %dma_wait3A_174 = arith.constant 2 : i32
    %dma_wait3A_175 = arith.constant 0 : i32
    %dma_wait3A_176 = tpu.memref_slice %arg4[%dma_wait3A_174, %add3A_123, %dma_wait3A_175] : memref<4x2048x1024xf32, #tpu.memory_space<hbm>> -> memref<1x16x1024xf32, #tpu.memory_space<hbm>>
    %dma_wait3A_177 = tpu.memref_squeeze %dma_wait3A_176 : memref<1x16x1024xf32, #tpu.memory_space<hbm>> -> memref<16x1024xf32, #tpu.memory_space<hbm>>
    %dma_wait3A_178 = arith.constant 0 : i32
    %dma_wait3A_179 = tpu.memref_slice %arg4[%dma_wait3A_174, %add3A_123, %dma_wait3A_178] : memref<4x2048x1024xf32, #tpu.memory_space<hbm>> -> memref<1x16x1024xf32, #tpu.memory_space<hbm>>
    %dma_wait3A_180 = tpu.memref_squeeze %dma_wait3A_179 : memref<1x16x1024xf32, #tpu.memory_space<hbm>> -> memref<16x1024xf32, #tpu.memory_space<hbm>>
    tpu.wait_dma2 semaphore(%arg19 : memref<!tpu.dma_semaphore, #tpu.memory_space<semaphore_mem>>) src(%arg9 : memref<16x1024xf32, #tpu.memory_space<vmem>>) dst(%dma_wait3A_180 : memref<16x1024xf32, #tpu.memory_space<hbm>>)
    %add3A_181 = arith.constant 16 : i32
    %add3A_182 = arith.addi %mul3A_2, %add3A_181 : i32
    %dma_start3A_183 = arith.constant 2 : i32
    %dma_start3A_184 = arith.constant 0 : i32
    %dma_start3A_185 = tpu.memref_slice %arg2[%dma_start3A_183, %add3A_182, %dma_start3A_184] : memref<4x2048x1024xf32, #tpu.memory_space<hbm>> -> memref<1x16x1024xf32, #tpu.memory_space<hbm>>
    %dma_start3A_186 = tpu.memref_squeeze %dma_start3A_185 : memref<1x16x1024xf32, #tpu.memory_space<hbm>> -> memref<16x1024xf32, #tpu.memory_space<hbm>>
    %dma_start3A_187 = arith.constant 0 : i32
    %dma_start3A_188 = tpu.memref_slice %arg2[%dma_start3A_183, %add3A_182, %dma_start3A_187] : memref<4x2048x1024xf32, #tpu.memory_space<hbm>> -> memref<1x16x1024xf32, #tpu.memory_space<hbm>>
    %dma_start3A_189 = tpu.memref_squeeze %dma_start3A_188 : memref<1x16x1024xf32, #tpu.memory_space<hbm>> -> memref<16x1024xf32, #tpu.memory_space<hbm>>
    tpu.enqueue_dma source(%dma_start3A_189 : memref<16x1024xf32, #tpu.memory_space<hbm>>) target(%arg9 : memref<16x1024xf32, #tpu.memory_space<vmem>>) target_semaphore(%arg15 : memref<!tpu.dma_semaphore, #tpu.memory_space<semaphore_mem>>)
    %dma_wait3A_190 = arith.constant 0 : i32
    %dma_wait3A_191 = arith.constant 0 : i32
    %dma_wait3A_192 = tpu.memref_slice %arg2[%dma_wait3A_190, %add3A_102, %dma_wait3A_191] : memref<4x2048x1024xf32, #tpu.memory_space<hbm>> -> memref<1x16x1024xf32, #tpu.memory_space<hbm>>
    %dma_wait3A_193 = tpu.memref_squeeze %dma_wait3A_192 : memref<1x16x1024xf32, #tpu.memory_space<hbm>> -> memref<16x1024xf32, #tpu.memory_space<hbm>>
    %dma_wait3A_194 = arith.constant 0 : i32
    %dma_wait3A_195 = tpu.memref_slice %arg2[%dma_wait3A_190, %add3A_102, %dma_wait3A_194] : memref<4x2048x1024xf32, #tpu.memory_space<hbm>> -> memref<1x16x1024xf32, #tpu.memory_space<hbm>>
    %dma_wait3A_196 = tpu.memref_squeeze %dma_wait3A_195 : memref<1x16x1024xf32, #tpu.memory_space<hbm>> -> memref<16x1024xf32, #tpu.memory_space<hbm>>
    tpu.wait_dma2 semaphore(%arg13 : memref<!tpu.dma_semaphore, #tpu.memory_space<semaphore_mem>>) src(%dma_wait3A_196 : memref<16x1024xf32, #tpu.memory_space<hbm>>) dst(%arg7 : memref<16x1024xf32, #tpu.memory_space<vmem>>)
    %dma_wait3A_197 = arith.constant 0 : i32
    %dma_wait3A_198 = tpu.memref_slice %arg3[%add3A_9, %dma_wait3A_197] : memref<2048x1024xf32, #tpu.memory_space<hbm>> -> memref<16x1024xf32, #tpu.memory_space<hbm>>
    %dma_wait3A_199 = arith.constant 0 : i32
    %dma_wait3A_200 = tpu.memref_slice %arg3[%add3A_9, %dma_wait3A_199] : memref<2048x1024xf32, #tpu.memory_space<hbm>> -> memref<16x1024xf32, #tpu.memory_space<hbm>>
    tpu.wait_dma2 semaphore(%arg12 : memref<!tpu.dma_semaphore, #tpu.memory_space<semaphore_mem>>) src(%dma_wait3A_200 : memref<16x1024xf32, #tpu.memory_space<hbm>>) dst(%arg6 : memref<16x1024xf32, #tpu.memory_space<vmem>>)
    %scan3A_201 = arith.constant 0 : i32
    %scan3A_202 = arith.constant 16 : i32
    %scan3A_203 = arith.addi %scan3A_201, %scan3A_202 : i32
    %scan3A_204 = arith.constant 1 : i32
    scf.for %scan3A_632 = %scan3A_201 to %scan3A_203 step %scan3A_204  : i32 {
      %mul3A_633 = arith.constant 1 : i32
      %mul3A_634 = arith.muli %scan3A_632, %mul3A_633 : i32
      %add3A_635 = arith.constant 0 : i32
      %add3A_636 = arith.addi %add3A_635, %mul3A_634 : i32
      %parallel_loop3A = arith.constant 0 : i32
      %parallel_loop3A_637 = arith.constant 1024 : i32
      %parallel_loop3A_638 = arith.constant 16 : i32
      scf.for %parallel_loop3A_639 = %parallel_loop3A to %parallel_loop3A_637 step %parallel_loop3A_638  : i32 {
        %parallel_loop3A_640 = arith.index_cast %add3A_636 : i32 to index
        %parallel_loop3A_641 = arith.index_cast %parallel_loop3A_639 : i32 to index
        %parallel_loop3A_642 = tpu.vector_load %arg6[%parallel_loop3A_640, %parallel_loop3A_641] {strides = array<i32>} : memref<16x1024xf32, #tpu.memory_space<vmem>>, vector<1x16xf32>,
        %parallel_loop3A_643 = vector.shape_cast %parallel_loop3A_642 : vector<1x16xf32> to vector<16xf32>
        %parallel_loop3A_644 = arith.index_cast %add3A_636 : i32 to index
        %parallel_loop3A_645 = arith.index_cast %parallel_loop3A_639 : i32 to index
        %parallel_loop3A_646 = tpu.vector_load %arg7[%parallel_loop3A_644, %parallel_loop3A_645] {strides = array<i32>} : memref<16x1024xf32, #tpu.memory_space<vmem>>, vector<1x16xf32>,
        %parallel_loop3A_647 = vector.shape_cast %parallel_loop3A_646 : vector<1x16xf32> to vector<16xf32>
        %parallel_loop3A_648 = vector.shape_cast %parallel_loop3A_643 : vector<16xf32> to vector<1x16xf32>
        tpu.vector_store %arg7[%parallel_loop3A_644, %parallel_loop3A_645], %parallel_loop3A_648 {add = true, strides = array<i32>} : memref<16x1024xf32, #tpu.memory_space<vmem>>, vector<1x16xf32>,
      } {sc.loop_unroll_factor = 8 : i64, sc.parallel_access}
    }
    %scan3A_205 = arith.constant 16 : i32
    %add3A_206 = arith.constant 16 : i32
    %add3A_207 = arith.addi %mul3A_2, %add3A_206 : i32
    %dma_start3A_208 = arith.constant 0 : i32
    %dma_start3A_209 = arith.constant 0 : i32
    %dma_start3A_210 = tpu.memref_slice %arg4[%dma_start3A_208, %add3A_207, %dma_start3A_209] : memref<4x2048x1024xf32, #tpu.memory_space<hbm>> -> memref<1x16x1024xf32, #tpu.memory_space<hbm>>
    %dma_start3A_211 = tpu.memref_squeeze %dma_start3A_210 : memref<1x16x1024xf32, #tpu.memory_space<hbm>> -> memref<16x1024xf32, #tpu.memory_space<hbm>>
    %dma_start3A_212 = arith.constant 0 : i32
    %dma_start3A_213 = tpu.memref_slice %arg4[%dma_start3A_208, %add3A_207, %dma_start3A_212] : memref<4x2048x1024xf32, #tpu.memory_space<hbm>> -> memref<1x16x1024xf32, #tpu.memory_space<hbm>>
    %dma_start3A_214 = tpu.memref_squeeze %dma_start3A_213 : memref<1x16x1024xf32, #tpu.memory_space<hbm>> -> memref<16x1024xf32, #tpu.memory_space<hbm>>
    tpu.enqueue_dma source(%arg7 : memref<16x1024xf32, #tpu.memory_space<vmem>>) target(%dma_start3A_214 : memref<16x1024xf32, #tpu.memory_space<hbm>>) target_semaphore(%arg17 : memref<!tpu.dma_semaphore, #tpu.memory_space<semaphore_mem>>)
    %dma_wait3A_215 = arith.constant 3 : i32
    %dma_wait3A_216 = arith.constant 0 : i32
    %dma_wait3A_217 = tpu.memref_slice %arg4[%dma_wait3A_215, %add3A_160, %dma_wait3A_216] : memref<4x2048x1024xf32, #tpu.memory_space<hbm>> -> memref<1x16x1024xf32, #tpu.memory_space<hbm>>
    %dma_wait3A_218 = tpu.memref_squeeze %dma_wait3A_217 : memref<1x16x1024xf32, #tpu.memory_space<hbm>> -> memref<16x1024xf32, #tpu.memory_space<hbm>>
    %dma_wait3A_219 = arith.constant 0 : i32
    %dma_wait3A_220 = tpu.memref_slice %arg4[%dma_wait3A_215, %add3A_160, %dma_wait3A_219] : memref<4x2048x1024xf32, #tpu.memory_space<hbm>> -> memref<1x16x1024xf32, #tpu.memory_space<hbm>>
    %dma_wait3A_221 = tpu.memref_squeeze %dma_wait3A_220 : memref<1x16x1024xf32, #tpu.memory_space<hbm>> -> memref<16x1024xf32, #tpu.memory_space<hbm>>
    tpu.wait_dma2 semaphore(%arg20 : memref<!tpu.dma_semaphore, #tpu.memory_space<semaphore_mem>>) src(%arg10 : memref<16x1024xf32, #tpu.memory_space<vmem>>) dst(%dma_wait3A_221 : memref<16x1024xf32, #tpu.memory_space<hbm>>)
    %add3A_222 = arith.constant 16 : i32
    %add3A_223 = arith.addi %mul3A_2, %add3A_222 : i32
    %dma_start3A_224 = arith.constant 3 : i32
    %dma_start3A_225 = arith.constant 0 : i32
    %dma_start3A_226 = tpu.memref_slice %arg2[%dma_start3A_224, %add3A_223, %dma_start3A_225] : memref<4x2048x1024xf32, #tpu.memory_space<hbm>> -> memref<1x16x1024xf32, #tpu.memory_space<hbm>>
    %dma_start3A_227 = tpu.memref_squeeze %dma_start3A_226 : memref<1x16x1024xf32, #tpu.memory_space<hbm>> -> memref<16x1024xf32, #tpu.memory_space<hbm>>
    %dma_start3A_228 = arith.constant 0 : i32
    %dma_start3A_229 = tpu.memref_slice %arg2[%dma_start3A_224, %add3A_223, %dma_start3A_228] : memref<4x2048x1024xf32, #tpu.memory_space<hbm>> -> memref<1x16x1024xf32, #tpu.memory_space<hbm>>
    %dma_start3A_230 = tpu.memref_squeeze %dma_start3A_229 : memref<1x16x1024xf32, #tpu.memory_space<hbm>> -> memref<16x1024xf32, #tpu.memory_space<hbm>>
    tpu.enqueue_dma source(%dma_start3A_230 : memref<16x1024xf32, #tpu.memory_space<hbm>>) target(%arg10 : memref<16x1024xf32, #tpu.memory_space<vmem>>) target_semaphore(%arg16 : memref<!tpu.dma_semaphore, #tpu.memory_space<semaphore_mem>>)
    %dma_wait3A_231 = arith.constant 1 : i32
    %dma_wait3A_232 = arith.constant 0 : i32
    %dma_wait3A_233 = tpu.memref_slice %arg2[%dma_wait3A_231, %add3A_139, %dma_wait3A_232] : memref<4x2048x1024xf32, #tpu.memory_space<hbm>> -> memref<1x16x1024xf32, #tpu.memory_space<hbm>>
    %dma_wait3A_234 = tpu.memref_squeeze %dma_wait3A_233 : memref<1x16x1024xf32, #tpu.memory_space<hbm>> -> memref<16x1024xf32, #tpu.memory_space<hbm>>
    %dma_wait3A_235 = arith.constant 0 : i32
    %dma_wait3A_236 = tpu.memref_slice %arg2[%dma_wait3A_231, %add3A_139, %dma_wait3A_235] : memref<4x2048x1024xf32, #tpu.memory_space<hbm>> -> memref<1x16x1024xf32, #tpu.memory_space<hbm>>
    %dma_wait3A_237 = tpu.memref_squeeze %dma_wait3A_236 : memref<1x16x1024xf32, #tpu.memory_space<hbm>> -> memref<16x1024xf32, #tpu.memory_space<hbm>>
    tpu.wait_dma2 semaphore(%arg14 : memref<!tpu.dma_semaphore, #tpu.memory_space<semaphore_mem>>) src(%dma_wait3A_237 : memref<16x1024xf32, #tpu.memory_space<hbm>>) dst(%arg8 : memref<16x1024xf32, #tpu.memory_space<vmem>>)
    %scan3A_238 = arith.constant 0 : i32
    %scan3A_239 = arith.constant 16 : i32
    %scan3A_240 = arith.addi %scan3A_238, %scan3A_239 : i32
    %scan3A_241 = arith.constant 1 : i32
    scf.for %scan3A_632 = %scan3A_238 to %scan3A_240 step %scan3A_241  : i32 {
      %mul3A_633 = arith.constant 1 : i32
      %mul3A_634 = arith.muli %scan3A_632, %mul3A_633 : i32
      %add3A_635 = arith.constant 0 : i32
      %add3A_636 = arith.addi %add3A_635, %mul3A_634 : i32
      %parallel_loop3A = arith.constant 0 : i32
      %parallel_loop3A_637 = arith.constant 1024 : i32
      %parallel_loop3A_638 = arith.constant 16 : i32
      scf.for %parallel_loop3A_639 = %parallel_loop3A to %parallel_loop3A_637 step %parallel_loop3A_638  : i32 {
        %parallel_loop3A_640 = arith.index_cast %add3A_636 : i32 to index
        %parallel_loop3A_641 = arith.index_cast %parallel_loop3A_639 : i32 to index
        %parallel_loop3A_642 = tpu.vector_load %arg6[%parallel_loop3A_640, %parallel_loop3A_641] {strides = array<i32>} : memref<16x1024xf32, #tpu.memory_space<vmem>>, vector<1x16xf32>,
        %parallel_loop3A_643 = vector.shape_cast %parallel_loop3A_642 : vector<1x16xf32> to vector<16xf32>
        %parallel_loop3A_644 = arith.index_cast %add3A_636 : i32 to index
        %parallel_loop3A_645 = arith.index_cast %parallel_loop3A_639 : i32 to index
        %parallel_loop3A_646 = tpu.vector_load %arg8[%parallel_loop3A_644, %parallel_loop3A_645] {strides = array<i32>} : memref<16x1024xf32, #tpu.memory_space<vmem>>, vector<1x16xf32>,
        %parallel_loop3A_647 = vector.shape_cast %parallel_loop3A_646 : vector<1x16xf32> to vector<16xf32>
        %parallel_loop3A_648 = vector.shape_cast %parallel_loop3A_643 : vector<16xf32> to vector<1x16xf32>
        tpu.vector_store %arg8[%parallel_loop3A_644, %parallel_loop3A_645], %parallel_loop3A_648 {add = true, strides = array<i32>} : memref<16x1024xf32, #tpu.memory_space<vmem>>, vector<1x16xf32>,
      } {sc.loop_unroll_factor = 8 : i64, sc.parallel_access}
    }
    %scan3A_242 = arith.constant 16 : i32
    %add3A_243 = arith.constant 16 : i32
    %add3A_244 = arith.addi %mul3A_2, %add3A_243 : i32
    %dma_start3A_245 = arith.constant 1 : i32
    %dma_start3A_246 = arith.constant 0 : i32
    %dma_start3A_247 = tpu.memref_slice %arg4[%dma_start3A_245, %add3A_244, %dma_start3A_246] : memref<4x2048x1024xf32, #tpu.memory_space<hbm>> -> memref<1x16x1024xf32, #tpu.memory_space<hbm>>
    %dma_start3A_248 = tpu.memref_squeeze %dma_start3A_247 : memref<1x16x1024xf32, #tpu.memory_space<hbm>> -> memref<16x1024xf32, #tpu.memory_space<hbm>>
    %dma_start3A_249 = arith.constant 0 : i32
    %dma_start3A_250 = tpu.memref_slice %arg4[%dma_start3A_245, %add3A_244, %dma_start3A_249] : memref<4x2048x1024xf32, #tpu.memory_space<hbm>> -> memref<1x16x1024xf32, #tpu.memory_space<hbm>>
    %dma_start3A_251 = tpu.memref_squeeze %dma_start3A_250 : memref<1x16x1024xf32, #tpu.memory_space<hbm>> -> memref<16x1024xf32, #tpu.memory_space<hbm>>
    tpu.enqueue_dma source(%arg8 : memref<16x1024xf32, #tpu.memory_space<vmem>>) target(%dma_start3A_251 : memref<16x1024xf32, #tpu.memory_space<hbm>>) target_semaphore(%arg18 : memref<!tpu.dma_semaphore, #tpu.memory_space<semaphore_mem>>)
    %dma_wait3A_252 = arith.constant 0 : i32
    %dma_wait3A_253 = arith.constant 0 : i32
    %dma_wait3A_254 = tpu.memref_slice %arg4[%dma_wait3A_252, %add3A_207, %dma_wait3A_253] : memref<4x2048x1024xf32, #tpu.memory_space<hbm>> -> memref<1x16x1024xf32, #tpu.memory_space<hbm>>
    %dma_wait3A_255 = tpu.memref_squeeze %dma_wait3A_254 : memref<1x16x1024xf32, #tpu.memory_space<hbm>> -> memref<16x1024xf32, #tpu.memory_space<hbm>>
    %dma_wait3A_256 = arith.constant 0 : i32
    %dma_wait3A_257 = tpu.memref_slice %arg4[%dma_wait3A_252, %add3A_207, %dma_wait3A_256] : memref<4x2048x1024xf32, #tpu.memory_space<hbm>> -> memref<1x16x1024xf32, #tpu.memory_space<hbm>>
    %dma_wait3A_258 = tpu.memref_squeeze %dma_wait3A_257 : memref<1x16x1024xf32, #tpu.memory_space<hbm>> -> memref<16x1024xf32, #tpu.memory_space<hbm>>
    tpu.wait_dma2 semaphore(%arg17 : memref<!tpu.dma_semaphore, #tpu.memory_space<semaphore_mem>>) src(%arg7 : memref<16x1024xf32, #tpu.memory_space<vmem>>) dst(%dma_wait3A_258 : memref<16x1024xf32, #tpu.memory_space<hbm>>)
    %add3A_259 = arith.constant 32 : i32
    %add3A_260 = arith.addi %mul3A_2, %add3A_259 : i32
    %dma_start3A_261 = arith.constant 0 : i32
    %dma_start3A_262 = arith.constant 0 : i32
    %dma_start3A_263 = tpu.memref_slice %arg2[%dma_start3A_261, %add3A_260, %dma_start3A_262] : memref<4x2048x1024xf32, #tpu.memory_space<hbm>> -> memref<1x16x1024xf32, #tpu.memory_space<hbm>>
    %dma_start3A_264 = tpu.memref_squeeze %dma_start3A_263 : memref<1x16x1024xf32, #tpu.memory_space<hbm>> -> memref<16x1024xf32, #tpu.memory_space<hbm>>
    %dma_start3A_265 = arith.constant 0 : i32
    %dma_start3A_266 = tpu.memref_slice %arg2[%dma_start3A_261, %add3A_260, %dma_start3A_265] : memref<4x2048x1024xf32, #tpu.memory_space<hbm>> -> memref<1x16x1024xf32, #tpu.memory_space<hbm>>
    %dma_start3A_267 = tpu.memref_squeeze %dma_start3A_266 : memref<1x16x1024xf32, #tpu.memory_space<hbm>> -> memref<16x1024xf32, #tpu.memory_space<hbm>>
    tpu.enqueue_dma source(%dma_start3A_267 : memref<16x1024xf32, #tpu.memory_space<hbm>>) target(%arg7 : memref<16x1024xf32, #tpu.memory_space<vmem>>) target_semaphore(%arg13 : memref<!tpu.dma_semaphore, #tpu.memory_space<semaphore_mem>>)
    %dma_wait3A_268 = arith.constant 2 : i32
    %dma_wait3A_269 = arith.constant 0 : i32
    %dma_wait3A_270 = tpu.memref_slice %arg2[%dma_wait3A_268, %add3A_182, %dma_wait3A_269] : memref<4x2048x1024xf32, #tpu.memory_space<hbm>> -> memref<1x16x1024xf32, #tpu.memory_space<hbm>>
    %dma_wait3A_271 = tpu.memref_squeeze %dma_wait3A_270 : memref<1x16x1024xf32, #tpu.memory_space<hbm>> -> memref<16x1024xf32, #tpu.memory_space<hbm>>
    %dma_wait3A_272 = arith.constant 0 : i32
    %dma_wait3A_273 = tpu.memref_slice %arg2[%dma_wait3A_268, %add3A_182, %dma_wait3A_272] : memref<4x2048x1024xf32, #tpu.memory_space<hbm>> -> memref<1x16x1024xf32, #tpu.memory_space<hbm>>
    %dma_wait3A_274 = tpu.memref_squeeze %dma_wait3A_273 : memref<1x16x1024xf32, #tpu.memory_space<hbm>> -> memref<16x1024xf32, #tpu.memory_space<hbm>>
    tpu.wait_dma2 semaphore(%arg15 : memref<!tpu.dma_semaphore, #tpu.memory_space<semaphore_mem>>) src(%dma_wait3A_274 : memref<16x1024xf32, #tpu.memory_space<hbm>>) dst(%arg9 : memref<16x1024xf32, #tpu.memory_space<vmem>>)
    %scan3A_275 = arith.constant 0 : i32
    %scan3A_276 = arith.constant 16 : i32
    %scan3A_277 = arith.addi %scan3A_275, %scan3A_276 : i32
    %scan3A_278 = arith.constant 1 : i32
    scf.for %scan3A_632 = %scan3A_275 to %scan3A_277 step %scan3A_278  : i32 {
      %mul3A_633 = arith.constant 1 : i32
      %mul3A_634 = arith.muli %scan3A_632, %mul3A_633 : i32
      %add3A_635 = arith.constant 0 : i32
      %add3A_636 = arith.addi %add3A_635, %mul3A_634 : i32
      %parallel_loop3A = arith.constant 0 : i32
      %parallel_loop3A_637 = arith.constant 1024 : i32
      %parallel_loop3A_638 = arith.constant 16 : i32
      scf.for %parallel_loop3A_639 = %parallel_loop3A to %parallel_loop3A_637 step %parallel_loop3A_638  : i32 {
        %parallel_loop3A_640 = arith.index_cast %add3A_636 : i32 to index
        %parallel_loop3A_641 = arith.index_cast %parallel_loop3A_639 : i32 to index
        %parallel_loop3A_642 = tpu.vector_load %arg6[%parallel_loop3A_640, %parallel_loop3A_641] {strides = array<i32>} : memref<16x1024xf32, #tpu.memory_space<vmem>>, vector<1x16xf32>,
        %parallel_loop3A_643 = vector.shape_cast %parallel_loop3A_642 : vector<1x16xf32> to vector<16xf32>
        %parallel_loop3A_644 = arith.index_cast %add3A_636 : i32 to index
        %parallel_loop3A_645 = arith.index_cast %parallel_loop3A_639 : i32 to index
        %parallel_loop3A_646 = tpu.vector_load %arg9[%parallel_loop3A_644, %parallel_loop3A_645] {strides = array<i32>} : memref<16x1024xf32, #tpu.memory_space<vmem>>, vector<1x16xf32>,
        %parallel_loop3A_647 = vector.shape_cast %parallel_loop3A_646 : vector<1x16xf32> to vector<16xf32>
        %parallel_loop3A_648 = vector.shape_cast %parallel_loop3A_643 : vector<16xf32> to vector<1x16xf32>
        tpu.vector_store %arg9[%parallel_loop3A_644, %parallel_loop3A_645], %parallel_loop3A_648 {add = true, strides = array<i32>} : memref<16x1024xf32, #tpu.memory_space<vmem>>, vector<1x16xf32>,
      } {sc.loop_unroll_factor = 8 : i64, sc.parallel_access}
    }
    %scan3A_279 = arith.constant 16 : i32
    %add3A_280 = arith.constant 16 : i32
    %add3A_281 = arith.addi %mul3A_2, %add3A_280 : i32
    %dma_start3A_282 = arith.constant 2 : i32
    %dma_start3A_283 = arith.constant 0 : i32
    %dma_start3A_284 = tpu.memref_slice %arg4[%dma_start3A_282, %add3A_281, %dma_start3A_283] : memref<4x2048x1024xf32, #tpu.memory_space<hbm>> -> memref<1x16x1024xf32, #tpu.memory_space<hbm>>
    %dma_start3A_285 = tpu.memref_squeeze %dma_start3A_284 : memref<1x16x1024xf32, #tpu.memory_space<hbm>> -> memref<16x1024xf32, #tpu.memory_space<hbm>>
    %dma_start3A_286 = arith.constant 0 : i32
    %dma_start3A_287 = tpu.memref_slice %arg4[%dma_start3A_282, %add3A_281, %dma_start3A_286] : memref<4x2048x1024xf32, #tpu.memory_space<hbm>> -> memref<1x16x1024xf32, #tpu.memory_space<hbm>>
    %dma_start3A_288 = tpu.memref_squeeze %dma_start3A_287 : memref<1x16x1024xf32, #tpu.memory_space<hbm>> -> memref<16x1024xf32, #tpu.memory_space<hbm>>
    tpu.enqueue_dma source(%arg9 : memref<16x1024xf32, #tpu.memory_space<vmem>>) target(%dma_start3A_288 : memref<16x1024xf32, #tpu.memory_space<hbm>>) target_semaphore(%arg19 : memref<!tpu.dma_semaphore, #tpu.memory_space<semaphore_mem>>)
    %dma_wait3A_289 = arith.constant 1 : i32
    %dma_wait3A_290 = arith.constant 0 : i32
    %dma_wait3A_291 = tpu.memref_slice %arg4[%dma_wait3A_289, %add3A_244, %dma_wait3A_290] : memref<4x2048x1024xf32, #tpu.memory_space<hbm>> -> memref<1x16x1024xf32, #tpu.memory_space<hbm>>
    %dma_wait3A_292 = tpu.memref_squeeze %dma_wait3A_291 : memref<1x16x1024xf32, #tpu.memory_space<hbm>> -> memref<16x1024xf32, #tpu.memory_space<hbm>>
    %dma_wait3A_293 = arith.constant 0 : i32
    %dma_wait3A_294 = tpu.memref_slice %arg4[%dma_wait3A_289, %add3A_244, %dma_wait3A_293] : memref<4x2048x1024xf32, #tpu.memory_space<hbm>> -> memref<1x16x1024xf32, #tpu.memory_space<hbm>>
    %dma_wait3A_295 = tpu.memref_squeeze %dma_wait3A_294 : memref<1x16x1024xf32, #tpu.memory_space<hbm>> -> memref<16x1024xf32, #tpu.memory_space<hbm>>
    tpu.wait_dma2 semaphore(%arg18 : memref<!tpu.dma_semaphore, #tpu.memory_space<semaphore_mem>>) src(%arg8 : memref<16x1024xf32, #tpu.memory_space<vmem>>) dst(%dma_wait3A_295 : memref<16x1024xf32, #tpu.memory_space<hbm>>)
    %add3A_296 = arith.constant 32 : i32
    %add3A_297 = arith.addi %mul3A_2, %add3A_296 : i32
    %dma_start3A_298 = arith.constant 1 : i32
    %dma_start3A_299 = arith.constant 0 : i32
    %dma_start3A_300 = tpu.memref_slice %arg2[%dma_start3A_298, %add3A_297, %dma_start3A_299] : memref<4x2048x1024xf32, #tpu.memory_space<hbm>> -> memref<1x16x1024xf32, #tpu.memory_space<hbm>>
    %dma_start3A_301 = tpu.memref_squeeze %dma_start3A_300 : memref<1x16x1024xf32, #tpu.memory_space<hbm>> -> memref<16x1024xf32, #tpu.memory_space<hbm>>
    %dma_start3A_302 = arith.constant 0 : i32
    %dma_start3A_303 = tpu.memref_slice %arg2[%dma_start3A_298, %add3A_297, %dma_start3A_302] : memref<4x2048x1024xf32, #tpu.memory_space<hbm>> -> memref<1x16x1024xf32, #tpu.memory_space<hbm>>
    %dma_start3A_304 = tpu.memref_squeeze %dma_start3A_303 : memref<1x16x1024xf32, #tpu.memory_space<hbm>> -> memref<16x1024xf32, #tpu.memory_space<hbm>>
    tpu.enqueue_dma source(%dma_start3A_304 : memref<16x1024xf32, #tpu.memory_space<hbm>>) target(%arg8 : memref<16x1024xf32, #tpu.memory_space<vmem>>) target_semaphore(%arg14 : memref<!tpu.dma_semaphore, #tpu.memory_space<semaphore_mem>>)
    %dma_wait3A_305 = arith.constant 3 : i32
    %dma_wait3A_306 = arith.constant 0 : i32
    %dma_wait3A_307 = tpu.memref_slice %arg2[%dma_wait3A_305, %add3A_223, %dma_wait3A_306] : memref<4x2048x1024xf32, #tpu.memory_space<hbm>> -> memref<1x16x1024xf32, #tpu.memory_space<hbm>>
    %dma_wait3A_308 = tpu.memref_squeeze %dma_wait3A_307 : memref<1x16x1024xf32, #tpu.memory_space<hbm>> -> memref<16x1024xf32, #tpu.memory_space<hbm>>
    %dma_wait3A_309 = arith.constant 0 : i32
    %dma_wait3A_310 = tpu.memref_slice %arg2[%dma_wait3A_305, %add3A_223, %dma_wait3A_309] : memref<4x2048x1024xf32, #tpu.memory_space<hbm>> -> memref<1x16x1024xf32, #tpu.memory_space<hbm>>
    %dma_wait3A_311 = tpu.memref_squeeze %dma_wait3A_310 : memref<1x16x1024xf32, #tpu.memory_space<hbm>> -> memref<16x1024xf32, #tpu.memory_space<hbm>>
    tpu.wait_dma2 semaphore(%arg16 : memref<!tpu.dma_semaphore, #tpu.memory_space<semaphore_mem>>) src(%dma_wait3A_311 : memref<16x1024xf32, #tpu.memory_space<hbm>>) dst(%arg10 : memref<16x1024xf32, #tpu.memory_space<vmem>>)
    %scan3A_312 = arith.constant 0 : i32
    %scan3A_313 = arith.constant 16 : i32
    %scan3A_314 = arith.addi %scan3A_312, %scan3A_313 : i32
    %scan3A_315 = arith.constant 1 : i32
    scf.for %scan3A_632 = %scan3A_312 to %scan3A_314 step %scan3A_315  : i32 {
      %mul3A_633 = arith.constant 1 : i32
      %mul3A_634 = arith.muli %scan3A_632, %mul3A_633 : i32
      %add3A_635 = arith.constant 0 : i32
      %add3A_636 = arith.addi %add3A_635, %mul3A_634 : i32
      %parallel_loop3A = arith.constant 0 : i32
      %parallel_loop3A_637 = arith.constant 1024 : i32
      %parallel_loop3A_638 = arith.constant 16 : i32
      scf.for %parallel_loop3A_639 = %parallel_loop3A to %parallel_loop3A_637 step %parallel_loop3A_638  : i32 {
        %parallel_loop3A_640 = arith.index_cast %add3A_636 : i32 to index
        %parallel_loop3A_641 = arith.index_cast %parallel_loop3A_639 : i32 to index
        %parallel_loop3A_642 = tpu.vector_load %arg6[%parallel_loop3A_640, %parallel_loop3A_641] {strides = array<i32>} : memref<16x1024xf32, #tpu.memory_space<vmem>>, vector<1x16xf32>,
        %parallel_loop3A_643 = vector.shape_cast %parallel_loop3A_642 : vector<1x16xf32> to vector<16xf32>
        %parallel_loop3A_644 = arith.index_cast %add3A_636 : i32 to index
        %parallel_loop3A_645 = arith.index_cast %parallel_loop3A_639 : i32 to index
        %parallel_loop3A_646 = tpu.vector_load %arg10[%parallel_loop3A_644, %parallel_loop3A_645] {strides = array<i32>} : memref<16x1024xf32, #tpu.memory_space<vmem>>, vector<1x16xf32>,
        %parallel_loop3A_647 = vector.shape_cast %parallel_loop3A_646 : vector<1x16xf32> to vector<16xf32>
        %parallel_loop3A_648 = vector.shape_cast %parallel_loop3A_643 : vector<16xf32> to vector<1x16xf32>
        tpu.vector_store %arg10[%parallel_loop3A_644, %parallel_loop3A_645], %parallel_loop3A_648 {add = true, strides = array<i32>} : memref<16x1024xf32, #tpu.memory_space<vmem>>, vector<1x16xf32>,
      } {sc.loop_unroll_factor = 8 : i64, sc.parallel_access}
    }
    %scan3A_316 = arith.constant 16 : i32
    %add3A_317 = arith.constant 16 : i32
    %add3A_318 = arith.addi %mul3A_2, %add3A_317 : i32
    %dma_start3A_319 = arith.constant 3 : i32
    %dma_start3A_320 = arith.constant 0 : i32
    %dma_start3A_321 = tpu.memref_slice %arg4[%dma_start3A_319, %add3A_318, %dma_start3A_320] : memref<4x2048x1024xf32, #tpu.memory_space<hbm>> -> memref<1x16x1024xf32, #tpu.memory_space<hbm>>
    %dma_start3A_322 = tpu.memref_squeeze %dma_start3A_321 : memref<1x16x1024xf32, #tpu.memory_space<hbm>> -> memref<16x1024xf32, #tpu.memory_space<hbm>>
    %dma_start3A_323 = arith.constant 0 : i32
    %dma_start3A_324 = tpu.memref_slice %arg4[%dma_start3A_319, %add3A_318, %dma_start3A_323] : memref<4x2048x1024xf32, #tpu.memory_space<hbm>> -> memref<1x16x1024xf32, #tpu.memory_space<hbm>>
    %dma_start3A_325 = tpu.memref_squeeze %dma_start3A_324 : memref<1x16x1024xf32, #tpu.memory_space<hbm>> -> memref<16x1024xf32, #tpu.memory_space<hbm>>
    tpu.enqueue_dma source(%arg10 : memref<16x1024xf32, #tpu.memory_space<vmem>>) target(%dma_start3A_325 : memref<16x1024xf32, #tpu.memory_space<hbm>>) target_semaphore(%arg20 : memref<!tpu.dma_semaphore, #tpu.memory_space<semaphore_mem>>)
    %add3A_326 = arith.constant 48 : i32
    %add3A_327 = arith.addi %mul3A_2, %add3A_326 : i32
    %dma_start3A_328 = arith.constant 0 : i32
    %dma_start3A_329 = tpu.memref_slice %arg3[%add3A_327, %dma_start3A_328] : memref<2048x1024xf32, #tpu.memory_space<hbm>> -> memref<16x1024xf32, #tpu.memory_space<hbm>>
    %dma_start3A_330 = arith.constant 0 : i32
    %dma_start3A_331 = tpu.memref_slice %arg3[%add3A_327, %dma_start3A_330] : memref<2048x1024xf32, #tpu.memory_space<hbm>> -> memref<16x1024xf32, #tpu.memory_space<hbm>>
    tpu.enqueue_dma source(%dma_start3A_331 : memref<16x1024xf32, #tpu.memory_space<hbm>>) target(%arg6 : memref<16x1024xf32, #tpu.memory_space<vmem>>) target_semaphore(%arg12 : memref<!tpu.dma_semaphore, #tpu.memory_space<semaphore_mem>>)
    %dma_wait3A_332 = arith.constant 2 : i32
    %dma_wait3A_333 = arith.constant 0 : i32
    %dma_wait3A_334 = tpu.memref_slice %arg4[%dma_wait3A_332, %add3A_281, %dma_wait3A_333] : memref<4x2048x1024xf32, #tpu.memory_space<hbm>> -> memref<1x16x1024xf32, #tpu.memory_space<hbm>>
    %dma_wait3A_335 = tpu.memref_squeeze %dma_wait3A_334 : memref<1x16x1024xf32, #tpu.memory_space<hbm>> -> memref<16x1024xf32, #tpu.memory_space<hbm>>
    %dma_wait3A_336 = arith.constant 0 : i32
    %dma_wait3A_337 = tpu.memref_slice %arg4[%dma_wait3A_332, %add3A_281, %dma_wait3A_336] : memref<4x2048x1024xf32, #tpu.memory_space<hbm>> -> memref<1x16x1024xf32, #tpu.memory_space<hbm>>
    %dma_wait3A_338 = tpu.memref_squeeze %dma_wait3A_337 : memref<1x16x1024xf32, #tpu.memory_space<hbm>> -> memref<16x1024xf32, #tpu.memory_space<hbm>>
    tpu.wait_dma2 semaphore(%arg19 : memref<!tpu.dma_semaphore, #tpu.memory_space<semaphore_mem>>) src(%arg9 : memref<16x1024xf32, #tpu.memory_space<vmem>>) dst(%dma_wait3A_338 : memref<16x1024xf32, #tpu.memory_space<hbm>>)
    %add3A_339 = arith.constant 32 : i32
    %add3A_340 = arith.addi %mul3A_2, %add3A_339 : i32
    %dma_start3A_341 = arith.constant 2 : i32
    %dma_start3A_342 = arith.constant 0 : i32
    %dma_start3A_343 = tpu.memref_slice %arg2[%dma_start3A_341, %add3A_340, %dma_start3A_342] : memref<4x2048x1024xf32, #tpu.memory_space<hbm>> -> memref<1x16x1024xf32, #tpu.memory_space<hbm>>
    %dma_start3A_344 = tpu.memref_squeeze %dma_start3A_343 : memref<1x16x1024xf32, #tpu.memory_space<hbm>> -> memref<16x1024xf32, #tpu.memory_space<hbm>>
    %dma_start3A_345 = arith.constant 0 : i32
    %dma_start3A_346 = tpu.memref_slice %arg2[%dma_start3A_341, %add3A_340, %dma_start3A_345] : memref<4x2048x1024xf32, #tpu.memory_space<hbm>> -> memref<1x16x1024xf32, #tpu.memory_space<hbm>>
    %dma_start3A_347 = tpu.memref_squeeze %dma_start3A_346 : memref<1x16x1024xf32, #tpu.memory_space<hbm>> -> memref<16x1024xf32, #tpu.memory_space<hbm>>
    tpu.enqueue_dma source(%dma_start3A_347 : memref<16x1024xf32, #tpu.memory_space<hbm>>) target(%arg9 : memref<16x1024xf32, #tpu.memory_space<vmem>>) target_semaphore(%arg15 : memref<!tpu.dma_semaphore, #tpu.memory_space<semaphore_mem>>)
    %dma_wait3A_348 = arith.constant 0 : i32
    %dma_wait3A_349 = arith.constant 0 : i32
    %dma_wait3A_350 = tpu.memref_slice %arg2[%dma_wait3A_348, %add3A_260, %dma_wait3A_349] : memref<4x2048x1024xf32, #tpu.memory_space<hbm>> -> memref<1x16x1024xf32, #tpu.memory_space<hbm>>
    %dma_wait3A_351 = tpu.memref_squeeze %dma_wait3A_350 : memref<1x16x1024xf32, #tpu.memory_space<hbm>> -> memref<16x1024xf32, #tpu.memory_space<hbm>>
    %dma_wait3A_352 = arith.constant 0 : i32
    %dma_wait3A_353 = tpu.memref_slice %arg2[%dma_wait3A_348, %add3A_260, %dma_wait3A_352] : memref<4x2048x1024xf32, #tpu.memory_space<hbm>> -> memref<1x16x1024xf32, #tpu.memory_space<hbm>>
    %dma_wait3A_354 = tpu.memref_squeeze %dma_wait3A_353 : memref<1x16x1024xf32, #tpu.memory_space<hbm>> -> memref<16x1024xf32, #tpu.memory_space<hbm>>
    tpu.wait_dma2 semaphore(%arg13 : memref<!tpu.dma_semaphore, #tpu.memory_space<semaphore_mem>>) src(%dma_wait3A_354 : memref<16x1024xf32, #tpu.memory_space<hbm>>) dst(%arg7 : memref<16x1024xf32, #tpu.memory_space<vmem>>)
    %dma_wait3A_355 = arith.constant 0 : i32
    %dma_wait3A_356 = tpu.memref_slice %arg3[%add3A_169, %dma_wait3A_355] : memref<2048x1024xf32, #tpu.memory_space<hbm>> -> memref<16x1024xf32, #tpu.memory_space<hbm>>
    %dma_wait3A_357 = arith.constant 0 : i32
    %dma_wait3A_358 = tpu.memref_slice %arg3[%add3A_169, %dma_wait3A_357] : memref<2048x1024xf32, #tpu.memory_space<hbm>> -> memref<16x1024xf32, #tpu.memory_space<hbm>>
    tpu.wait_dma2 semaphore(%arg11 : memref<!tpu.dma_semaphore, #tpu.memory_space<semaphore_mem>>) src(%dma_wait3A_358 : memref<16x1024xf32, #tpu.memory_space<hbm>>) dst(%arg5 : memref<16x1024xf32, #tpu.memory_space<vmem>>)
    %scan3A_359 = arith.constant 0 : i32
    %scan3A_360 = arith.constant 16 : i32
    %scan3A_361 = arith.addi %scan3A_359, %scan3A_360 : i32
    %scan3A_362 = arith.constant 1 : i32
    scf.for %scan3A_632 = %scan3A_359 to %scan3A_361 step %scan3A_362  : i32 {
      %mul3A_633 = arith.constant 1 : i32
      %mul3A_634 = arith.muli %scan3A_632, %mul3A_633 : i32
      %add3A_635 = arith.constant 0 : i32
      %add3A_636 = arith.addi %add3A_635, %mul3A_634 : i32
      %parallel_loop3A = arith.constant 0 : i32
      %parallel_loop3A_637 = arith.constant 1024 : i32
      %parallel_loop3A_638 = arith.constant 16 : i32
      scf.for %parallel_loop3A_639 = %parallel_loop3A to %parallel_loop3A_637 step %parallel_loop3A_638  : i32 {
        %parallel_loop3A_640 = arith.index_cast %add3A_636 : i32 to index
        %parallel_loop3A_641 = arith.index_cast %parallel_loop3A_639 : i32 to index
        %parallel_loop3A_642 = tpu.vector_load %arg5[%parallel_loop3A_640, %parallel_loop3A_641] {strides = array<i32>} : memref<16x1024xf32, #tpu.memory_space<vmem>>, vector<1x16xf32>,
        %parallel_loop3A_643 = vector.shape_cast %parallel_loop3A_642 : vector<1x16xf32> to vector<16xf32>
        %parallel_loop3A_644 = arith.index_cast %add3A_636 : i32 to index
        %parallel_loop3A_645 = arith.index_cast %parallel_loop3A_639 : i32 to index
        %parallel_loop3A_646 = tpu.vector_load %arg7[%parallel_loop3A_644, %parallel_loop3A_645] {strides = array<i32>} : memref<16x1024xf32, #tpu.memory_space<vmem>>, vector<1x16xf32>,
        %parallel_loop3A_647 = vector.shape_cast %parallel_loop3A_646 : vector<1x16xf32> to vector<16xf32>
        %parallel_loop3A_648 = vector.shape_cast %parallel_loop3A_643 : vector<16xf32> to vector<1x16xf32>
        tpu.vector_store %arg7[%parallel_loop3A_644, %parallel_loop3A_645], %parallel_loop3A_648 {add = true, strides = array<i32>} : memref<16x1024xf32, #tpu.memory_space<vmem>>, vector<1x16xf32>,
      } {sc.loop_unroll_factor = 8 : i64, sc.parallel_access}
    }
    %scan3A_363 = arith.constant 16 : i32
    %add3A_364 = arith.constant 32 : i32
    %add3A_365 = arith.addi %mul3A_2, %add3A_364 : i32
    %dma_start3A_366 = arith.constant 0 : i32
    %dma_start3A_367 = arith.constant 0 : i32
    %dma_start3A_368 = tpu.memref_slice %arg4[%dma_start3A_366, %add3A_365, %dma_start3A_367] : memref<4x2048x1024xf32, #tpu.memory_space<hbm>> -> memref<1x16x1024xf32, #tpu.memory_space<hbm>>
    %dma_start3A_369 = tpu.memref_squeeze %dma_start3A_368 : memref<1x16x1024xf32, #tpu.memory_space<hbm>> -> memref<16x1024xf32, #tpu.memory_space<hbm>>
    %dma_start3A_370 = arith.constant 0 : i32
    %dma_start3A_371 = tpu.memref_slice %arg4[%dma_start3A_366, %add3A_365, %dma_start3A_370] : memref<4x2048x1024xf32, #tpu.memory_space<hbm>> -> memref<1x16x1024xf32, #tpu.memory_space<hbm>>
    %dma_start3A_372 = tpu.memref_squeeze %dma_start3A_371 : memref<1x16x1024xf32, #tpu.memory_space<hbm>> -> memref<16x1024xf32, #tpu.memory_space<hbm>>
    tpu.enqueue_dma source(%arg7 : memref<16x1024xf32, #tpu.memory_space<vmem>>) target(%dma_start3A_372 : memref<16x1024xf32, #tpu.memory_space<hbm>>) target_semaphore(%arg17 : memref<!tpu.dma_semaphore, #tpu.memory_space<semaphore_mem>>)
    %dma_wait3A_373 = arith.constant 3 : i32
    %dma_wait3A_374 = arith.constant 0 : i32
    %dma_wait3A_375 = tpu.memref_slice %arg4[%dma_wait3A_373, %add3A_318, %dma_wait3A_374] : memref<4x2048x1024xf32, #tpu.memory_space<hbm>> -> memref<1x16x1024xf32, #tpu.memory_space<hbm>>
    %dma_wait3A_376 = tpu.memref_squeeze %dma_wait3A_375 : memref<1x16x1024xf32, #tpu.memory_space<hbm>> -> memref<16x1024xf32, #tpu.memory_space<hbm>>
    %dma_wait3A_377 = arith.constant 0 : i32
    %dma_wait3A_378 = tpu.memref_slice %arg4[%dma_wait3A_373, %add3A_318, %dma_wait3A_377] : memref<4x2048x1024xf32, #tpu.memory_space<hbm>> -> memref<1x16x1024xf32, #tpu.memory_space<hbm>>
    %dma_wait3A_379 = tpu.memref_squeeze %dma_wait3A_378 : memref<1x16x1024xf32, #tpu.memory_space<hbm>> -> memref<16x1024xf32, #tpu.memory_space<hbm>>
    tpu.wait_dma2 semaphore(%arg20 : memref<!tpu.dma_semaphore, #tpu.memory_space<semaphore_mem>>) src(%arg10 : memref<16x1024xf32, #tpu.memory_space<vmem>>) dst(%dma_wait3A_379 : memref<16x1024xf32, #tpu.memory_space<hbm>>)
    %add3A_380 = arith.constant 32 : i32
    %add3A_381 = arith.addi %mul3A_2, %add3A_380 : i32
    %dma_start3A_382 = arith.constant 3 : i32
    %dma_start3A_383 = arith.constant 0 : i32
    %dma_start3A_384 = tpu.memref_slice %arg2[%dma_start3A_382, %add3A_381, %dma_start3A_383] : memref<4x2048x1024xf32, #tpu.memory_space<hbm>> -> memref<1x16x1024xf32, #tpu.memory_space<hbm>>
    %dma_start3A_385 = tpu.memref_squeeze %dma_start3A_384 : memref<1x16x1024xf32, #tpu.memory_space<hbm>> -> memref<16x1024xf32, #tpu.memory_space<hbm>>
    %dma_start3A_386 = arith.constant 0 : i32
    %dma_start3A_387 = tpu.memref_slice %arg2[%dma_start3A_382, %add3A_381, %dma_start3A_386] : memref<4x2048x1024xf32, #tpu.memory_space<hbm>> -> memref<1x16x1024xf32, #tpu.memory_space<hbm>>
    %dma_start3A_388 = tpu.memref_squeeze %dma_start3A_387 : memref<1x16x1024xf32, #tpu.memory_space<hbm>> -> memref<16x1024xf32, #tpu.memory_space<hbm>>
    tpu.enqueue_dma source(%dma_start3A_388 : memref<16x1024xf32, #tpu.memory_space<hbm>>) target(%arg10 : memref<16x1024xf32, #tpu.memory_space<vmem>>) target_semaphore(%arg16 : memref<!tpu.dma_semaphore, #tpu.memory_space<semaphore_mem>>)
    %dma_wait3A_389 = arith.constant 1 : i32
    %dma_wait3A_390 = arith.constant 0 : i32
    %dma_wait3A_391 = tpu.memref_slice %arg2[%dma_wait3A_389, %add3A_297, %dma_wait3A_390] : memref<4x2048x1024xf32, #tpu.memory_space<hbm>> -> memref<1x16x1024xf32, #tpu.memory_space<hbm>>
    %dma_wait3A_392 = tpu.memref_squeeze %dma_wait3A_391 : memref<1x16x1024xf32, #tpu.memory_space<hbm>> -> memref<16x1024xf32, #tpu.memory_space<hbm>>
    %dma_wait3A_393 = arith.constant 0 : i32
    %dma_wait3A_394 = tpu.memref_slice %arg2[%dma_wait3A_389, %add3A_297, %dma_wait3A_393] : memref<4x2048x1024xf32, #tpu.memory_space<hbm>> -> memref<1x16x1024xf32, #tpu.memory_space<hbm>>
    %dma_wait3A_395 = tpu.memref_squeeze %dma_wait3A_394 : memref<1x16x1024xf32, #tpu.memory_space<hbm>> -> memref<16x1024xf32, #tpu.memory_space<hbm>>
    tpu.wait_dma2 semaphore(%arg14 : memref<!tpu.dma_semaphore, #tpu.memory_space<semaphore_mem>>) src(%dma_wait3A_395 : memref<16x1024xf32, #tpu.memory_space<hbm>>) dst(%arg8 : memref<16x1024xf32, #tpu.memory_space<vmem>>)
    %scan3A_396 = arith.constant 0 : i32
    %scan3A_397 = arith.constant 16 : i32
    %scan3A_398 = arith.addi %scan3A_396, %scan3A_397 : i32
    %scan3A_399 = arith.constant 1 : i32
    scf.for %scan3A_632 = %scan3A_396 to %scan3A_398 step %scan3A_399  : i32 {
      %mul3A_633 = arith.constant 1 : i32
      %mul3A_634 = arith.muli %scan3A_632, %mul3A_633 : i32
      %add3A_635 = arith.constant 0 : i32
      %add3A_636 = arith.addi %add3A_635, %mul3A_634 : i32
      %parallel_loop3A = arith.constant 0 : i32
      %parallel_loop3A_637 = arith.constant 1024 : i32
      %parallel_loop3A_638 = arith.constant 16 : i32
      scf.for %parallel_loop3A_639 = %parallel_loop3A to %parallel_loop3A_637 step %parallel_loop3A_638  : i32 {
        %parallel_loop3A_640 = arith.index_cast %add3A_636 : i32 to index
        %parallel_loop3A_641 = arith.index_cast %parallel_loop3A_639 : i32 to index
        %parallel_loop3A_642 = tpu.vector_load %arg5[%parallel_loop3A_640, %parallel_loop3A_641] {strides = array<i32>} : memref<16x1024xf32, #tpu.memory_space<vmem>>, vector<1x16xf32>,
        %parallel_loop3A_643 = vector.shape_cast %parallel_loop3A_642 : vector<1x16xf32> to vector<16xf32>
        %parallel_loop3A_644 = arith.index_cast %add3A_636 : i32 to index
        %parallel_loop3A_645 = arith.index_cast %parallel_loop3A_639 : i32 to index
        %parallel_loop3A_646 = tpu.vector_load %arg8[%parallel_loop3A_644, %parallel_loop3A_645] {strides = array<i32>} : memref<16x1024xf32, #tpu.memory_space<vmem>>, vector<1x16xf32>,
        %parallel_loop3A_647 = vector.shape_cast %parallel_loop3A_646 : vector<1x16xf32> to vector<16xf32>
        %parallel_loop3A_648 = vector.shape_cast %parallel_loop3A_643 : vector<16xf32> to vector<1x16xf32>
        tpu.vector_store %arg8[%parallel_loop3A_644, %parallel_loop3A_645], %parallel_loop3A_648 {add = true, strides = array<i32>} : memref<16x1024xf32, #tpu.memory_space<vmem>>, vector<1x16xf32>,
      } {sc.loop_unroll_factor = 8 : i64, sc.parallel_access}
    }
    %scan3A_400 = arith.constant 16 : i32
    %add3A_401 = arith.constant 32 : i32
    %add3A_402 = arith.addi %mul3A_2, %add3A_401 : i32
    %dma_start3A_403 = arith.constant 1 : i32
    %dma_start3A_404 = arith.constant 0 : i32
    %dma_start3A_405 = tpu.memref_slice %arg4[%dma_start3A_403, %add3A_402, %dma_start3A_404] : memref<4x2048x1024xf32, #tpu.memory_space<hbm>> -> memref<1x16x1024xf32, #tpu.memory_space<hbm>>
    %dma_start3A_406 = tpu.memref_squeeze %dma_start3A_405 : memref<1x16x1024xf32, #tpu.memory_space<hbm>> -> memref<16x1024xf32, #tpu.memory_space<hbm>>
    %dma_start3A_407 = arith.constant 0 : i32
    %dma_start3A_408 = tpu.memref_slice %arg4[%dma_start3A_403, %add3A_402, %dma_start3A_407] : memref<4x2048x1024xf32, #tpu.memory_space<hbm>> -> memref<1x16x1024xf32, #tpu.memory_space<hbm>>
    %dma_start3A_409 = tpu.memref_squeeze %dma_start3A_408 : memref<1x16x1024xf32, #tpu.memory_space<hbm>> -> memref<16x1024xf32, #tpu.memory_space<hbm>>
    tpu.enqueue_dma source(%arg8 : memref<16x1024xf32, #tpu.memory_space<vmem>>) target(%dma_start3A_409 : memref<16x1024xf32, #tpu.memory_space<hbm>>) target_semaphore(%arg18 : memref<!tpu.dma_semaphore, #tpu.memory_space<semaphore_mem>>)
    %dma_wait3A_410 = arith.constant 0 : i32
    %dma_wait3A_411 = arith.constant 0 : i32
    %dma_wait3A_412 = tpu.memref_slice %arg4[%dma_wait3A_410, %add3A_365, %dma_wait3A_411] : memref<4x2048x1024xf32, #tpu.memory_space<hbm>> -> memref<1x16x1024xf32, #tpu.memory_space<hbm>>
    %dma_wait3A_413 = tpu.memref_squeeze %dma_wait3A_412 : memref<1x16x1024xf32, #tpu.memory_space<hbm>> -> memref<16x1024xf32, #tpu.memory_space<hbm>>
    %dma_wait3A_414 = arith.constant 0 : i32
    %dma_wait3A_415 = tpu.memref_slice %arg4[%dma_wait3A_410, %add3A_365, %dma_wait3A_414] : memref<4x2048x1024xf32, #tpu.memory_space<hbm>> -> memref<1x16x1024xf32, #tpu.memory_space<hbm>>
    %dma_wait3A_416 = tpu.memref_squeeze %dma_wait3A_415 : memref<1x16x1024xf32, #tpu.memory_space<hbm>> -> memref<16x1024xf32, #tpu.memory_space<hbm>>
    tpu.wait_dma2 semaphore(%arg17 : memref<!tpu.dma_semaphore, #tpu.memory_space<semaphore_mem>>) src(%arg7 : memref<16x1024xf32, #tpu.memory_space<vmem>>) dst(%dma_wait3A_416 : memref<16x1024xf32, #tpu.memory_space<hbm>>)
    %add3A_417 = arith.constant 48 : i32
    %add3A_418 = arith.addi %mul3A_2, %add3A_417 : i32
    %dma_start3A_419 = arith.constant 0 : i32
    %dma_start3A_420 = arith.constant 0 : i32
    %dma_start3A_421 = tpu.memref_slice %arg2[%dma_start3A_419, %add3A_418, %dma_start3A_420] : memref<4x2048x1024xf32, #tpu.memory_space<hbm>> -> memref<1x16x1024xf32, #tpu.memory_space<hbm>>
    %dma_start3A_422 = tpu.memref_squeeze %dma_start3A_421 : memref<1x16x1024xf32, #tpu.memory_space<hbm>> -> memref<16x1024xf32, #tpu.memory_space<hbm>>
    %dma_start3A_423 = arith.constant 0 : i32
    %dma_start3A_424 = tpu.memref_slice %arg2[%dma_start3A_419, %add3A_418, %dma_start3A_423] : memref<4x2048x1024xf32, #tpu.memory_space<hbm>> -> memref<1x16x1024xf32, #tpu.memory_space<hbm>>
    %dma_start3A_425 = tpu.memref_squeeze %dma_start3A_424 : memref<1x16x1024xf32, #tpu.memory_space<hbm>> -> memref<16x1024xf32, #tpu.memory_space<hbm>>
    tpu.enqueue_dma source(%dma_start3A_425 : memref<16x1024xf32, #tpu.memory_space<hbm>>) target(%arg7 : memref<16x1024xf32, #tpu.memory_space<vmem>>) target_semaphore(%arg13 : memref<!tpu.dma_semaphore, #tpu.memory_space<semaphore_mem>>)
    %dma_wait3A_426 = arith.constant 2 : i32
    %dma_wait3A_427 = arith.constant 0 : i32
    %dma_wait3A_428 = tpu.memref_slice %arg2[%dma_wait3A_426, %add3A_340, %dma_wait3A_427] : memref<4x2048x1024xf32, #tpu.memory_space<hbm>> -> memref<1x16x1024xf32, #tpu.memory_space<hbm>>
    %dma_wait3A_429 = tpu.memref_squeeze %dma_wait3A_428 : memref<1x16x1024xf32, #tpu.memory_space<hbm>> -> memref<16x1024xf32, #tpu.memory_space<hbm>>
    %dma_wait3A_430 = arith.constant 0 : i32
    %dma_wait3A_431 = tpu.memref_slice %arg2[%dma_wait3A_426, %add3A_340, %dma_wait3A_430] : memref<4x2048x1024xf32, #tpu.memory_space<hbm>> -> memref<1x16x1024xf32, #tpu.memory_space<hbm>>
    %dma_wait3A_432 = tpu.memref_squeeze %dma_wait3A_431 : memref<1x16x1024xf32, #tpu.memory_space<hbm>> -> memref<16x1024xf32, #tpu.memory_space<hbm>>
    tpu.wait_dma2 semaphore(%arg15 : memref<!tpu.dma_semaphore, #tpu.memory_space<semaphore_mem>>) src(%dma_wait3A_432 : memref<16x1024xf32, #tpu.memory_space<hbm>>) dst(%arg9 : memref<16x1024xf32, #tpu.memory_space<vmem>>)
    %scan3A_433 = arith.constant 0 : i32
    %scan3A_434 = arith.constant 16 : i32
    %scan3A_435 = arith.addi %scan3A_433, %scan3A_434 : i32
    %scan3A_436 = arith.constant 1 : i32
    scf.for %scan3A_632 = %scan3A_433 to %scan3A_435 step %scan3A_436  : i32 {
      %mul3A_633 = arith.constant 1 : i32
      %mul3A_634 = arith.muli %scan3A_632, %mul3A_633 : i32
      %add3A_635 = arith.constant 0 : i32
      %add3A_636 = arith.addi %add3A_635, %mul3A_634 : i32
      %parallel_loop3A = arith.constant 0 : i32
      %parallel_loop3A_637 = arith.constant 1024 : i32
      %parallel_loop3A_638 = arith.constant 16 : i32
      scf.for %parallel_loop3A_639 = %parallel_loop3A to %parallel_loop3A_637 step %parallel_loop3A_638  : i32 {
        %parallel_loop3A_640 = arith.index_cast %add3A_636 : i32 to index
        %parallel_loop3A_641 = arith.index_cast %parallel_loop3A_639 : i32 to index
        %parallel_loop3A_642 = tpu.vector_load %arg5[%parallel_loop3A_640, %parallel_loop3A_641] {strides = array<i32>} : memref<16x1024xf32, #tpu.memory_space<vmem>>, vector<1x16xf32>,
        %parallel_loop3A_643 = vector.shape_cast %parallel_loop3A_642 : vector<1x16xf32> to vector<16xf32>
        %parallel_loop3A_644 = arith.index_cast %add3A_636 : i32 to index
        %parallel_loop3A_645 = arith.index_cast %parallel_loop3A_639 : i32 to index
        %parallel_loop3A_646 = tpu.vector_load %arg9[%parallel_loop3A_644, %parallel_loop3A_645] {strides = array<i32>} : memref<16x1024xf32, #tpu.memory_space<vmem>>, vector<1x16xf32>,
        %parallel_loop3A_647 = vector.shape_cast %parallel_loop3A_646 : vector<1x16xf32> to vector<16xf32>
        %parallel_loop3A_648 = vector.shape_cast %parallel_loop3A_643 : vector<16xf32> to vector<1x16xf32>
        tpu.vector_store %arg9[%parallel_loop3A_644, %parallel_loop3A_645], %parallel_loop3A_648 {add = true, strides = array<i32>} : memref<16x1024xf32, #tpu.memory_space<vmem>>, vector<1x16xf32>,
      } {sc.loop_unroll_factor = 8 : i64, sc.parallel_access}
    }
    %scan3A_437 = arith.constant 16 : i32
    %add3A_438 = arith.constant 32 : i32
    %add3A_439 = arith.addi %mul3A_2, %add3A_438 : i32
    %dma_start3A_440 = arith.constant 2 : i32
    %dma_start3A_441 = arith.constant 0 : i32
    %dma_start3A_442 = tpu.memref_slice %arg4[%dma_start3A_440, %add3A_439, %dma_start3A_441] : memref<4x2048x1024xf32, #tpu.memory_space<hbm>> -> memref<1x16x1024xf32, #tpu.memory_space<hbm>>
    %dma_start3A_443 = tpu.memref_squeeze %dma_start3A_442 : memref<1x16x1024xf32, #tpu.memory_space<hbm>> -> memref<16x1024xf32, #tpu.memory_space<hbm>>
    %dma_start3A_444 = arith.constant 0 : i32
    %dma_start3A_445 = tpu.memref_slice %arg4[%dma_start3A_440, %add3A_439, %dma_start3A_444] : memref<4x2048x1024xf32, #tpu.memory_space<hbm>> -> memref<1x16x1024xf32, #tpu.memory_space<hbm>>
    %dma_start3A_446 = tpu.memref_squeeze %dma_start3A_445 : memref<1x16x1024xf32, #tpu.memory_space<hbm>> -> memref<16x1024xf32, #tpu.memory_space<hbm>>
    tpu.enqueue_dma source(%arg9 : memref<16x1024xf32, #tpu.memory_space<vmem>>) target(%dma_start3A_446 : memref<16x1024xf32, #tpu.memory_space<hbm>>) target_semaphore(%arg19 : memref<!tpu.dma_semaphore, #tpu.memory_space<semaphore_mem>>)
    %dma_wait3A_447 = arith.constant 1 : i32
    %dma_wait3A_448 = arith.constant 0 : i32
    %dma_wait3A_449 = tpu.memref_slice %arg4[%dma_wait3A_447, %add3A_402, %dma_wait3A_448] : memref<4x2048x1024xf32, #tpu.memory_space<hbm>> -> memref<1x16x1024xf32, #tpu.memory_space<hbm>>
    %dma_wait3A_450 = tpu.memref_squeeze %dma_wait3A_449 : memref<1x16x1024xf32, #tpu.memory_space<hbm>> -> memref<16x1024xf32, #tpu.memory_space<hbm>>
    %dma_wait3A_451 = arith.constant 0 : i32
    %dma_wait3A_452 = tpu.memref_slice %arg4[%dma_wait3A_447, %add3A_402, %dma_wait3A_451] : memref<4x2048x1024xf32, #tpu.memory_space<hbm>> -> memref<1x16x1024xf32, #tpu.memory_space<hbm>>
    %dma_wait3A_453 = tpu.memref_squeeze %dma_wait3A_452 : memref<1x16x1024xf32, #tpu.memory_space<hbm>> -> memref<16x1024xf32, #tpu.memory_space<hbm>>
    tpu.wait_dma2 semaphore(%arg18 : memref<!tpu.dma_semaphore, #tpu.memory_space<semaphore_mem>>) src(%arg8 : memref<16x1024xf32, #tpu.memory_space<vmem>>) dst(%dma_wait3A_453 : memref<16x1024xf32, #tpu.memory_space<hbm>>)
    %add3A_454 = arith.constant 48 : i32
    %add3A_455 = arith.addi %mul3A_2, %add3A_454 : i32
    %dma_start3A_456 = arith.constant 1 : i32
    %dma_start3A_457 = arith.constant 0 : i32
    %dma_start3A_458 = tpu.memref_slice %arg2[%dma_start3A_456, %add3A_455, %dma_start3A_457] : memref<4x2048x1024xf32, #tpu.memory_space<hbm>> -> memref<1x16x1024xf32, #tpu.memory_space<hbm>>
    %dma_start3A_459 = tpu.memref_squeeze %dma_start3A_458 : memref<1x16x1024xf32, #tpu.memory_space<hbm>> -> memref<16x1024xf32, #tpu.memory_space<hbm>>
    %dma_start3A_460 = arith.constant 0 : i32
    %dma_start3A_461 = tpu.memref_slice %arg2[%dma_start3A_456, %add3A_455, %dma_start3A_460] : memref<4x2048x1024xf32, #tpu.memory_space<hbm>> -> memref<1x16x1024xf32, #tpu.memory_space<hbm>>
    %dma_start3A_462 = tpu.memref_squeeze %dma_start3A_461 : memref<1x16x1024xf32, #tpu.memory_space<hbm>> -> memref<16x1024xf32, #tpu.memory_space<hbm>>
    tpu.enqueue_dma source(%dma_start3A_462 : memref<16x1024xf32, #tpu.memory_space<hbm>>) target(%arg8 : memref<16x1024xf32, #tpu.memory_space<vmem>>) target_semaphore(%arg14 : memref<!tpu.dma_semaphore, #tpu.memory_space<semaphore_mem>>)
    %dma_wait3A_463 = arith.constant 3 : i32
    %dma_wait3A_464 = arith.constant 0 : i32
    %dma_wait3A_465 = tpu.memref_slice %arg2[%dma_wait3A_463, %add3A_381, %dma_wait3A_464] : memref<4x2048x1024xf32, #tpu.memory_space<hbm>> -> memref<1x16x1024xf32, #tpu.memory_space<hbm>>
    %dma_wait3A_466 = tpu.memref_squeeze %dma_wait3A_465 : memref<1x16x1024xf32, #tpu.memory_space<hbm>> -> memref<16x1024xf32, #tpu.memory_space<hbm>>
    %dma_wait3A_467 = arith.constant 0 : i32
    %dma_wait3A_468 = tpu.memref_slice %arg2[%dma_wait3A_463, %add3A_381, %dma_wait3A_467] : memref<4x2048x1024xf32, #tpu.memory_space<hbm>> -> memref<1x16x1024xf32, #tpu.memory_space<hbm>>
    %dma_wait3A_469 = tpu.memref_squeeze %dma_wait3A_468 : memref<1x16x1024xf32, #tpu.memory_space<hbm>> -> memref<16x1024xf32, #tpu.memory_space<hbm>>
    tpu.wait_dma2 semaphore(%arg16 : memref<!tpu.dma_semaphore, #tpu.memory_space<semaphore_mem>>) src(%dma_wait3A_469 : memref<16x1024xf32, #tpu.memory_space<hbm>>) dst(%arg10 : memref<16x1024xf32, #tpu.memory_space<vmem>>)
    %scan3A_470 = arith.constant 0 : i32
    %scan3A_471 = arith.constant 16 : i32
    %scan3A_472 = arith.addi %scan3A_470, %scan3A_471 : i32
    %scan3A_473 = arith.constant 1 : i32
    scf.for %scan3A_632 = %scan3A_470 to %scan3A_472 step %scan3A_473  : i32 {
      %mul3A_633 = arith.constant 1 : i32
      %mul3A_634 = arith.muli %scan3A_632, %mul3A_633 : i32
      %add3A_635 = arith.constant 0 : i32
      %add3A_636 = arith.addi %add3A_635, %mul3A_634 : i32
      %parallel_loop3A = arith.constant 0 : i32
      %parallel_loop3A_637 = arith.constant 1024 : i32
      %parallel_loop3A_638 = arith.constant 16 : i32
      scf.for %parallel_loop3A_639 = %parallel_loop3A to %parallel_loop3A_637 step %parallel_loop3A_638  : i32 {
        %parallel_loop3A_640 = arith.index_cast %add3A_636 : i32 to index
        %parallel_loop3A_641 = arith.index_cast %parallel_loop3A_639 : i32 to index
        %parallel_loop3A_642 = tpu.vector_load %arg5[%parallel_loop3A_640, %parallel_loop3A_641] {strides = array<i32>} : memref<16x1024xf32, #tpu.memory_space<vmem>>, vector<1x16xf32>,
        %parallel_loop3A_643 = vector.shape_cast %parallel_loop3A_642 : vector<1x16xf32> to vector<16xf32>
        %parallel_loop3A_644 = arith.index_cast %add3A_636 : i32 to index
        %parallel_loop3A_645 = arith.index_cast %parallel_loop3A_639 : i32 to index
        %parallel_loop3A_646 = tpu.vector_load %arg10[%parallel_loop3A_644, %parallel_loop3A_645] {strides = array<i32>} : memref<16x1024xf32, #tpu.memory_space<vmem>>, vector<1x16xf32>,
        %parallel_loop3A_647 = vector.shape_cast %parallel_loop3A_646 : vector<1x16xf32> to vector<16xf32>
        %parallel_loop3A_648 = vector.shape_cast %parallel_loop3A_643 : vector<16xf32> to vector<1x16xf32>
        tpu.vector_store %arg10[%parallel_loop3A_644, %parallel_loop3A_645], %parallel_loop3A_648 {add = true, strides = array<i32>} : memref<16x1024xf32, #tpu.memory_space<vmem>>, vector<1x16xf32>,
      } {sc.loop_unroll_factor = 8 : i64, sc.parallel_access}
    }
    %scan3A_474 = arith.constant 16 : i32
    %add3A_475 = arith.constant 32 : i32
    %add3A_476 = arith.addi %mul3A_2, %add3A_475 : i32
    %dma_start3A_477 = arith.constant 3 : i32
    %dma_start3A_478 = arith.constant 0 : i32
    %dma_start3A_479 = tpu.memref_slice %arg4[%dma_start3A_477, %add3A_476, %dma_start3A_478] : memref<4x2048x1024xf32, #tpu.memory_space<hbm>> -> memref<1x16x1024xf32, #tpu.memory_space<hbm>>
    %dma_start3A_480 = tpu.memref_squeeze %dma_start3A_479 : memref<1x16x1024xf32, #tpu.memory_space<hbm>> -> memref<16x1024xf32, #tpu.memory_space<hbm>>
    %dma_start3A_481 = arith.constant 0 : i32
    %dma_start3A_482 = tpu.memref_slice %arg4[%dma_start3A_477, %add3A_476, %dma_start3A_481] : memref<4x2048x1024xf32, #tpu.memory_space<hbm>> -> memref<1x16x1024xf32, #tpu.memory_space<hbm>>
    %dma_start3A_483 = tpu.memref_squeeze %dma_start3A_482 : memref<1x16x1024xf32, #tpu.memory_space<hbm>> -> memref<16x1024xf32, #tpu.memory_space<hbm>>
    tpu.enqueue_dma source(%arg10 : memref<16x1024xf32, #tpu.memory_space<vmem>>) target(%dma_start3A_483 : memref<16x1024xf32, #tpu.memory_space<hbm>>) target_semaphore(%arg20 : memref<!tpu.dma_semaphore, #tpu.memory_space<semaphore_mem>>)
    %dma_wait3A_484 = arith.constant 2 : i32
    %dma_wait3A_485 = arith.constant 0 : i32
    %dma_wait3A_486 = tpu.memref_slice %arg4[%dma_wait3A_484, %add3A_439, %dma_wait3A_485] : memref<4x2048x1024xf32, #tpu.memory_space<hbm>> -> memref<1x16x1024xf32, #tpu.memory_space<hbm>>
    %dma_wait3A_487 = tpu.memref_squeeze %dma_wait3A_486 : memref<1x16x1024xf32, #tpu.memory_space<hbm>> -> memref<16x1024xf32, #tpu.memory_space<hbm>>
    %dma_wait3A_488 = arith.constant 0 : i32
    %dma_wait3A_489 = tpu.memref_slice %arg4[%dma_wait3A_484, %add3A_439, %dma_wait3A_488] : memref<4x2048x1024xf32, #tpu.memory_space<hbm>> -> memref<1x16x1024xf32, #tpu.memory_space<hbm>>
    %dma_wait3A_490 = tpu.memref_squeeze %dma_wait3A_489 : memref<1x16x1024xf32, #tpu.memory_space<hbm>> -> memref<16x1024xf32, #tpu.memory_space<hbm>>
    tpu.wait_dma2 semaphore(%arg19 : memref<!tpu.dma_semaphore, #tpu.memory_space<semaphore_mem>>) src(%arg9 : memref<16x1024xf32, #tpu.memory_space<vmem>>) dst(%dma_wait3A_490 : memref<16x1024xf32, #tpu.memory_space<hbm>>)
    %add3A_491 = arith.constant 48 : i32
    %add3A_492 = arith.addi %mul3A_2, %add3A_491 : i32
    %dma_start3A_493 = arith.constant 2 : i32
    %dma_start3A_494 = arith.constant 0 : i32
    %dma_start3A_495 = tpu.memref_slice %arg2[%dma_start3A_493, %add3A_492, %dma_start3A_494] : memref<4x2048x1024xf32, #tpu.memory_space<hbm>> -> memref<1x16x1024xf32, #tpu.memory_space<hbm>>
    %dma_start3A_496 = tpu.memref_squeeze %dma_start3A_495 : memref<1x16x1024xf32, #tpu.memory_space<hbm>> -> memref<16x1024xf32, #tpu.memory_space<hbm>>
    %dma_start3A_497 = arith.constant 0 : i32
    %dma_start3A_498 = tpu.memref_slice %arg2[%dma_start3A_493, %add3A_492, %dma_start3A_497] : memref<4x2048x1024xf32, #tpu.memory_space<hbm>> -> memref<1x16x1024xf32, #tpu.memory_space<hbm>>
    %dma_start3A_499 = tpu.memref_squeeze %dma_start3A_498 : memref<1x16x1024xf32, #tpu.memory_space<hbm>> -> memref<16x1024xf32, #tpu.memory_space<hbm>>
    tpu.enqueue_dma source(%dma_start3A_499 : memref<16x1024xf32, #tpu.memory_space<hbm>>) target(%arg9 : memref<16x1024xf32, #tpu.memory_space<vmem>>) target_semaphore(%arg15 : memref<!tpu.dma_semaphore, #tpu.memory_space<semaphore_mem>>)
    %dma_wait3A_500 = arith.constant 0 : i32
    %dma_wait3A_501 = arith.constant 0 : i32
    %dma_wait3A_502 = tpu.memref_slice %arg2[%dma_wait3A_500, %add3A_418, %dma_wait3A_501] : memref<4x2048x1024xf32, #tpu.memory_space<hbm>> -> memref<1x16x1024xf32, #tpu.memory_space<hbm>>
    %dma_wait3A_503 = tpu.memref_squeeze %dma_wait3A_502 : memref<1x16x1024xf32, #tpu.memory_space<hbm>> -> memref<16x1024xf32, #tpu.memory_space<hbm>>
    %dma_wait3A_504 = arith.constant 0 : i32
    %dma_wait3A_505 = tpu.memref_slice %arg2[%dma_wait3A_500, %add3A_418, %dma_wait3A_504] : memref<4x2048x1024xf32, #tpu.memory_space<hbm>> -> memref<1x16x1024xf32, #tpu.memory_space<hbm>>
    %dma_wait3A_506 = tpu.memref_squeeze %dma_wait3A_505 : memref<1x16x1024xf32, #tpu.memory_space<hbm>> -> memref<16x1024xf32, #tpu.memory_space<hbm>>
    tpu.wait_dma2 semaphore(%arg13 : memref<!tpu.dma_semaphore, #tpu.memory_space<semaphore_mem>>) src(%dma_wait3A_506 : memref<16x1024xf32, #tpu.memory_space<hbm>>) dst(%arg7 : memref<16x1024xf32, #tpu.memory_space<vmem>>)
    %dma_wait3A_507 = arith.constant 0 : i32
    %dma_wait3A_508 = tpu.memref_slice %arg3[%add3A_327, %dma_wait3A_507] : memref<2048x1024xf32, #tpu.memory_space<hbm>> -> memref<16x1024xf32, #tpu.memory_space<hbm>>
    %dma_wait3A_509 = arith.constant 0 : i32
    %dma_wait3A_510 = tpu.memref_slice %arg3[%add3A_327, %dma_wait3A_509] : memref<2048x1024xf32, #tpu.memory_space<hbm>> -> memref<16x1024xf32, #tpu.memory_space<hbm>>
    tpu.wait_dma2 semaphore(%arg12 : memref<!tpu.dma_semaphore, #tpu.memory_space<semaphore_mem>>) src(%dma_wait3A_510 : memref<16x1024xf32, #tpu.memory_space<hbm>>) dst(%arg6 : memref<16x1024xf32, #tpu.memory_space<vmem>>)
    %scan3A_511 = arith.constant 0 : i32
    %scan3A_512 = arith.constant 16 : i32
    %scan3A_513 = arith.addi %scan3A_511, %scan3A_512 : i32
    %scan3A_514 = arith.constant 1 : i32
    scf.for %scan3A_632 = %scan3A_511 to %scan3A_513 step %scan3A_514  : i32 {
      %mul3A_633 = arith.constant 1 : i32
      %mul3A_634 = arith.muli %scan3A_632, %mul3A_633 : i32
      %add3A_635 = arith.constant 0 : i32
      %add3A_636 = arith.addi %add3A_635, %mul3A_634 : i32
      %parallel_loop3A = arith.constant 0 : i32
      %parallel_loop3A_637 = arith.constant 1024 : i32
      %parallel_loop3A_638 = arith.constant 16 : i32
      scf.for %parallel_loop3A_639 = %parallel_loop3A to %parallel_loop3A_637 step %parallel_loop3A_638  : i32 {
        %parallel_loop3A_640 = arith.index_cast %add3A_636 : i32 to index
        %parallel_loop3A_641 = arith.index_cast %parallel_loop3A_639 : i32 to index
        %parallel_loop3A_642 = tpu.vector_load %arg6[%parallel_loop3A_640, %parallel_loop3A_641] {strides = array<i32>} : memref<16x1024xf32, #tpu.memory_space<vmem>>, vector<1x16xf32>,
        %parallel_loop3A_643 = vector.shape_cast %parallel_loop3A_642 : vector<1x16xf32> to vector<16xf32>
        %parallel_loop3A_644 = arith.index_cast %add3A_636 : i32 to index
        %parallel_loop3A_645 = arith.index_cast %parallel_loop3A_639 : i32 to index
        %parallel_loop3A_646 = tpu.vector_load %arg7[%parallel_loop3A_644, %parallel_loop3A_645] {strides = array<i32>} : memref<16x1024xf32, #tpu.memory_space<vmem>>, vector<1x16xf32>,
        %parallel_loop3A_647 = vector.shape_cast %parallel_loop3A_646 : vector<1x16xf32> to vector<16xf32>
        %parallel_loop3A_648 = vector.shape_cast %parallel_loop3A_643 : vector<16xf32> to vector<1x16xf32>
        tpu.vector_store %arg7[%parallel_loop3A_644, %parallel_loop3A_645], %parallel_loop3A_648 {add = true, strides = array<i32>} : memref<16x1024xf32, #tpu.memory_space<vmem>>, vector<1x16xf32>,
      } {sc.loop_unroll_factor = 8 : i64, sc.parallel_access}
    }
    %scan3A_515 = arith.constant 16 : i32
    %add3A_516 = arith.constant 48 : i32
    %add3A_517 = arith.addi %mul3A_2, %add3A_516 : i32
    %dma_start3A_518 = arith.constant 0 : i32
    %dma_start3A_519 = arith.constant 0 : i32
    %dma_start3A_520 = tpu.memref_slice %arg4[%dma_start3A_518, %add3A_517, %dma_start3A_519] : memref<4x2048x1024xf32, #tpu.memory_space<hbm>> -> memref<1x16x1024xf32, #tpu.memory_space<hbm>>
    %dma_start3A_521 = tpu.memref_squeeze %dma_start3A_520 : memref<1x16x1024xf32, #tpu.memory_space<hbm>> -> memref<16x1024xf32, #tpu.memory_space<hbm>>
    %dma_start3A_522 = arith.constant 0 : i32
    %dma_start3A_523 = tpu.memref_slice %arg4[%dma_start3A_518, %add3A_517, %dma_start3A_522] : memref<4x2048x1024xf32, #tpu.memory_space<hbm>> -> memref<1x16x1024xf32, #tpu.memory_space<hbm>>
    %dma_start3A_524 = tpu.memref_squeeze %dma_start3A_523 : memref<1x16x1024xf32, #tpu.memory_space<hbm>> -> memref<16x1024xf32, #tpu.memory_space<hbm>>
    tpu.enqueue_dma source(%arg7 : memref<16x1024xf32, #tpu.memory_space<vmem>>) target(%dma_start3A_524 : memref<16x1024xf32, #tpu.memory_space<hbm>>) target_semaphore(%arg17 : memref<!tpu.dma_semaphore, #tpu.memory_space<semaphore_mem>>)
    %dma_wait3A_525 = arith.constant 3 : i32
    %dma_wait3A_526 = arith.constant 0 : i32
    %dma_wait3A_527 = tpu.memref_slice %arg4[%dma_wait3A_525, %add3A_476, %dma_wait3A_526] : memref<4x2048x1024xf32, #tpu.memory_space<hbm>> -> memref<1x16x1024xf32, #tpu.memory_space<hbm>>
    %dma_wait3A_528 = tpu.memref_squeeze %dma_wait3A_527 : memref<1x16x1024xf32, #tpu.memory_space<hbm>> -> memref<16x1024xf32, #tpu.memory_space<hbm>>
    %dma_wait3A_529 = arith.constant 0 : i32
    %dma_wait3A_530 = tpu.memref_slice %arg4[%dma_wait3A_525, %add3A_476, %dma_wait3A_529] : memref<4x2048x1024xf32, #tpu.memory_space<hbm>> -> memref<1x16x1024xf32, #tpu.memory_space<hbm>>
    %dma_wait3A_531 = tpu.memref_squeeze %dma_wait3A_530 : memref<1x16x1024xf32, #tpu.memory_space<hbm>> -> memref<16x1024xf32, #tpu.memory_space<hbm>>
    tpu.wait_dma2 semaphore(%arg20 : memref<!tpu.dma_semaphore, #tpu.memory_space<semaphore_mem>>) src(%arg10 : memref<16x1024xf32, #tpu.memory_space<vmem>>) dst(%dma_wait3A_531 : memref<16x1024xf32, #tpu.memory_space<hbm>>)
    %add3A_532 = arith.constant 48 : i32
    %add3A_533 = arith.addi %mul3A_2, %add3A_532 : i32
    %dma_start3A_534 = arith.constant 3 : i32
    %dma_start3A_535 = arith.constant 0 : i32
    %dma_start3A_536 = tpu.memref_slice %arg2[%dma_start3A_534, %add3A_533, %dma_start3A_535] : memref<4x2048x1024xf32, #tpu.memory_space<hbm>> -> memref<1x16x1024xf32, #tpu.memory_space<hbm>>
    %dma_start3A_537 = tpu.memref_squeeze %dma_start3A_536 : memref<1x16x1024xf32, #tpu.memory_space<hbm>> -> memref<16x1024xf32, #tpu.memory_space<hbm>>
    %dma_start3A_538 = arith.constant 0 : i32
    %dma_start3A_539 = tpu.memref_slice %arg2[%dma_start3A_534, %add3A_533, %dma_start3A_538] : memref<4x2048x1024xf32, #tpu.memory_space<hbm>> -> memref<1x16x1024xf32, #tpu.memory_space<hbm>>
    %dma_start3A_540 = tpu.memref_squeeze %dma_start3A_539 : memref<1x16x1024xf32, #tpu.memory_space<hbm>> -> memref<16x1024xf32, #tpu.memory_space<hbm>>
    tpu.enqueue_dma source(%dma_start3A_540 : memref<16x1024xf32, #tpu.memory_space<hbm>>) target(%arg10 : memref<16x1024xf32, #tpu.memory_space<vmem>>) target_semaphore(%arg16 : memref<!tpu.dma_semaphore, #tpu.memory_space<semaphore_mem>>)
    %dma_wait3A_541 = arith.constant 1 : i32
    %dma_wait3A_542 = arith.constant 0 : i32
    %dma_wait3A_543 = tpu.memref_slice %arg2[%dma_wait3A_541, %add3A_455, %dma_wait3A_542] : memref<4x2048x1024xf32, #tpu.memory_space<hbm>> -> memref<1x16x1024xf32, #tpu.memory_space<hbm>>
    %dma_wait3A_544 = tpu.memref_squeeze %dma_wait3A_543 : memref<1x16x1024xf32, #tpu.memory_space<hbm>> -> memref<16x1024xf32, #tpu.memory_space<hbm>>
    %dma_wait3A_545 = arith.constant 0 : i32
    %dma_wait3A_546 = tpu.memref_slice %arg2[%dma_wait3A_541, %add3A_455, %dma_wait3A_545] : memref<4x2048x1024xf32, #tpu.memory_space<hbm>> -> memref<1x16x1024xf32, #tpu.memory_space<hbm>>
    %dma_wait3A_547 = tpu.memref_squeeze %dma_wait3A_546 : memref<1x16x1024xf32, #tpu.memory_space<hbm>> -> memref<16x1024xf32, #tpu.memory_space<hbm>>
    tpu.wait_dma2 semaphore(%arg14 : memref<!tpu.dma_semaphore, #tpu.memory_space<semaphore_mem>>) src(%dma_wait3A_547 : memref<16x1024xf32, #tpu.memory_space<hbm>>) dst(%arg8 : memref<16x1024xf32, #tpu.memory_space<vmem>>)
    %scan3A_548 = arith.constant 0 : i32
    %scan3A_549 = arith.constant 16 : i32
    %scan3A_550 = arith.addi %scan3A_548, %scan3A_549 : i32
    %scan3A_551 = arith.constant 1 : i32
    scf.for %scan3A_632 = %scan3A_548 to %scan3A_550 step %scan3A_551  : i32 {
      %mul3A_633 = arith.constant 1 : i32
      %mul3A_634 = arith.muli %scan3A_632, %mul3A_633 : i32
      %add3A_635 = arith.constant 0 : i32
      %add3A_636 = arith.addi %add3A_635, %mul3A_634 : i32
      %parallel_loop3A = arith.constant 0 : i32
      %parallel_loop3A_637 = arith.constant 1024 : i32
      %parallel_loop3A_638 = arith.constant 16 : i32
      scf.for %parallel_loop3A_639 = %parallel_loop3A to %parallel_loop3A_637 step %parallel_loop3A_638  : i32 {
        %parallel_loop3A_640 = arith.index_cast %add3A_636 : i32 to index
        %parallel_loop3A_641 = arith.index_cast %parallel_loop3A_639 : i32 to index
        %parallel_loop3A_642 = tpu.vector_load %arg6[%parallel_loop3A_640, %parallel_loop3A_641] {strides = array<i32>} : memref<16x1024xf32, #tpu.memory_space<vmem>>, vector<1x16xf32>,
        %parallel_loop3A_643 = vector.shape_cast %parallel_loop3A_642 : vector<1x16xf32> to vector<16xf32>
        %parallel_loop3A_644 = arith.index_cast %add3A_636 : i32 to index
        %parallel_loop3A_645 = arith.index_cast %parallel_loop3A_639 : i32 to index
        %parallel_loop3A_646 = tpu.vector_load %arg8[%parallel_loop3A_644, %parallel_loop3A_645] {strides = array<i32>} : memref<16x1024xf32, #tpu.memory_space<vmem>>, vector<1x16xf32>,
        %parallel_loop3A_647 = vector.shape_cast %parallel_loop3A_646 : vector<1x16xf32> to vector<16xf32>
        %parallel_loop3A_648 = vector.shape_cast %parallel_loop3A_643 : vector<16xf32> to vector<1x16xf32>
        tpu.vector_store %arg8[%parallel_loop3A_644, %parallel_loop3A_645], %parallel_loop3A_648 {add = true, strides = array<i32>} : memref<16x1024xf32, #tpu.memory_space<vmem>>, vector<1x16xf32>,
      } {sc.loop_unroll_factor = 8 : i64, sc.parallel_access}
    }
    %scan3A_552 = arith.constant 16 : i32
    %add3A_553 = arith.constant 48 : i32
    %add3A_554 = arith.addi %mul3A_2, %add3A_553 : i32
    %dma_start3A_555 = arith.constant 1 : i32
    %dma_start3A_556 = arith.constant 0 : i32
    %dma_start3A_557 = tpu.memref_slice %arg4[%dma_start3A_555, %add3A_554, %dma_start3A_556] : memref<4x2048x1024xf32, #tpu.memory_space<hbm>> -> memref<1x16x1024xf32, #tpu.memory_space<hbm>>
    %dma_start3A_558 = tpu.memref_squeeze %dma_start3A_557 : memref<1x16x1024xf32, #tpu.memory_space<hbm>> -> memref<16x1024xf32, #tpu.memory_space<hbm>>
    %dma_start3A_559 = arith.constant 0 : i32
    %dma_start3A_560 = tpu.memref_slice %arg4[%dma_start3A_555, %add3A_554, %dma_start3A_559] : memref<4x2048x1024xf32, #tpu.memory_space<hbm>> -> memref<1x16x1024xf32, #tpu.memory_space<hbm>>
    %dma_start3A_561 = tpu.memref_squeeze %dma_start3A_560 : memref<1x16x1024xf32, #tpu.memory_space<hbm>> -> memref<16x1024xf32, #tpu.memory_space<hbm>>
    tpu.enqueue_dma source(%arg8 : memref<16x1024xf32, #tpu.memory_space<vmem>>) target(%dma_start3A_561 : memref<16x1024xf32, #tpu.memory_space<hbm>>) target_semaphore(%arg18 : memref<!tpu.dma_semaphore, #tpu.memory_space<semaphore_mem>>)
    %dma_wait3A_562 = arith.constant 0 : i32
    %dma_wait3A_563 = arith.constant 0 : i32
    %dma_wait3A_564 = tpu.memref_slice %arg4[%dma_wait3A_562, %add3A_517, %dma_wait3A_563] : memref<4x2048x1024xf32, #tpu.memory_space<hbm>> -> memref<1x16x1024xf32, #tpu.memory_space<hbm>>
    %dma_wait3A_565 = tpu.memref_squeeze %dma_wait3A_564 : memref<1x16x1024xf32, #tpu.memory_space<hbm>> -> memref<16x1024xf32, #tpu.memory_space<hbm>>
    %dma_wait3A_566 = arith.constant 0 : i32
    %dma_wait3A_567 = tpu.memref_slice %arg4[%dma_wait3A_562, %add3A_517, %dma_wait3A_566] : memref<4x2048x1024xf32, #tpu.memory_space<hbm>> -> memref<1x16x1024xf32, #tpu.memory_space<hbm>>
    %dma_wait3A_568 = tpu.memref_squeeze %dma_wait3A_567 : memref<1x16x1024xf32, #tpu.memory_space<hbm>> -> memref<16x1024xf32, #tpu.memory_space<hbm>>
    tpu.wait_dma2 semaphore(%arg17 : memref<!tpu.dma_semaphore, #tpu.memory_space<semaphore_mem>>) src(%arg7 : memref<16x1024xf32, #tpu.memory_space<vmem>>) dst(%dma_wait3A_568 : memref<16x1024xf32, #tpu.memory_space<hbm>>)
    %dma_wait3A_569 = arith.constant 2 : i32
    %dma_wait3A_570 = arith.constant 0 : i32
    %dma_wait3A_571 = tpu.memref_slice %arg2[%dma_wait3A_569, %add3A_492, %dma_wait3A_570] : memref<4x2048x1024xf32, #tpu.memory_space<hbm>> -> memref<1x16x1024xf32, #tpu.memory_space<hbm>>
    %dma_wait3A_572 = tpu.memref_squeeze %dma_wait3A_571 : memref<1x16x1024xf32, #tpu.memory_space<hbm>> -> memref<16x1024xf32, #tpu.memory_space<hbm>>
    %dma_wait3A_573 = arith.constant 0 : i32
    %dma_wait3A_574 = tpu.memref_slice %arg2[%dma_wait3A_569, %add3A_492, %dma_wait3A_573] : memref<4x2048x1024xf32, #tpu.memory_space<hbm>> -> memref<1x16x1024xf32, #tpu.memory_space<hbm>>
    %dma_wait3A_575 = tpu.memref_squeeze %dma_wait3A_574 : memref<1x16x1024xf32, #tpu.memory_space<hbm>> -> memref<16x1024xf32, #tpu.memory_space<hbm>>
    tpu.wait_dma2 semaphore(%arg15 : memref<!tpu.dma_semaphore, #tpu.memory_space<semaphore_mem>>) src(%dma_wait3A_575 : memref<16x1024xf32, #tpu.memory_space<hbm>>) dst(%arg9 : memref<16x1024xf32, #tpu.memory_space<vmem>>)
    %scan3A_576 = arith.constant 0 : i32
    %scan3A_577 = arith.constant 16 : i32
    %scan3A_578 = arith.addi %scan3A_576, %scan3A_577 : i32
    %scan3A_579 = arith.constant 1 : i32
    scf.for %scan3A_632 = %scan3A_576 to %scan3A_578 step %scan3A_579  : i32 {
      %mul3A_633 = arith.constant 1 : i32
      %mul3A_634 = arith.muli %scan3A_632, %mul3A_633 : i32
      %add3A_635 = arith.constant 0 : i32
      %add3A_636 = arith.addi %add3A_635, %mul3A_634 : i32
      %parallel_loop3A = arith.constant 0 : i32
      %parallel_loop3A_637 = arith.constant 1024 : i32
      %parallel_loop3A_638 = arith.constant 16 : i32
      scf.for %parallel_loop3A_639 = %parallel_loop3A to %parallel_loop3A_637 step %parallel_loop3A_638  : i32 {
        %parallel_loop3A_640 = arith.index_cast %add3A_636 : i32 to index
        %parallel_loop3A_641 = arith.index_cast %parallel_loop3A_639 : i32 to index
        %parallel_loop3A_642 = tpu.vector_load %arg6[%parallel_loop3A_640, %parallel_loop3A_641] {strides = array<i32>} : memref<16x1024xf32, #tpu.memory_space<vmem>>, vector<1x16xf32>,
        %parallel_loop3A_643 = vector.shape_cast %parallel_loop3A_642 : vector<1x16xf32> to vector<16xf32>
        %parallel_loop3A_644 = arith.index_cast %add3A_636 : i32 to index
        %parallel_loop3A_645 = arith.index_cast %parallel_loop3A_639 : i32 to index
        %parallel_loop3A_646 = tpu.vector_load %arg9[%parallel_loop3A_644, %parallel_loop3A_645] {strides = array<i32>} : memref<16x1024xf32, #tpu.memory_space<vmem>>, vector<1x16xf32>,
        %parallel_loop3A_647 = vector.shape_cast %parallel_loop3A_646 : vector<1x16xf32> to vector<16xf32>
        %parallel_loop3A_648 = vector.shape_cast %parallel_loop3A_643 : vector<16xf32> to vector<1x16xf32>
        tpu.vector_store %arg9[%parallel_loop3A_644, %parallel_loop3A_645], %parallel_loop3A_648 {add = true, strides = array<i32>} : memref<16x1024xf32, #tpu.memory_space<vmem>>, vector<1x16xf32>,
      } {sc.loop_unroll_factor = 8 : i64, sc.parallel_access}
    }
    %scan3A_580 = arith.constant 16 : i32
    %add3A_581 = arith.constant 48 : i32
    %add3A_582 = arith.addi %mul3A_2, %add3A_581 : i32
    %dma_start3A_583 = arith.constant 2 : i32
    %dma_start3A_584 = arith.constant 0 : i32
    %dma_start3A_585 = tpu.memref_slice %arg4[%dma_start3A_583, %add3A_582, %dma_start3A_584] : memref<4x2048x1024xf32, #tpu.memory_space<hbm>> -> memref<1x16x1024xf32, #tpu.memory_space<hbm>>
    %dma_start3A_586 = tpu.memref_squeeze %dma_start3A_585 : memref<1x16x1024xf32, #tpu.memory_space<hbm>> -> memref<16x1024xf32, #tpu.memory_space<hbm>>
    %dma_start3A_587 = arith.constant 0 : i32
    %dma_start3A_588 = tpu.memref_slice %arg4[%dma_start3A_583, %add3A_582, %dma_start3A_587] : memref<4x2048x1024xf32, #tpu.memory_space<hbm>> -> memref<1x16x1024xf32, #tpu.memory_space<hbm>>
    %dma_start3A_589 = tpu.memref_squeeze %dma_start3A_588 : memref<1x16x1024xf32, #tpu.memory_space<hbm>> -> memref<16x1024xf32, #tpu.memory_space<hbm>>
    tpu.enqueue_dma source(%arg9 : memref<16x1024xf32, #tpu.memory_space<vmem>>) target(%dma_start3A_589 : memref<16x1024xf32, #tpu.memory_space<hbm>>) target_semaphore(%arg19 : memref<!tpu.dma_semaphore, #tpu.memory_space<semaphore_mem>>)
    %dma_wait3A_590 = arith.constant 1 : i32
    %dma_wait3A_591 = arith.constant 0 : i32
    %dma_wait3A_592 = tpu.memref_slice %arg4[%dma_wait3A_590, %add3A_554, %dma_wait3A_591] : memref<4x2048x1024xf32, #tpu.memory_space<hbm>> -> memref<1x16x1024xf32, #tpu.memory_space<hbm>>
    %dma_wait3A_593 = tpu.memref_squeeze %dma_wait3A_592 : memref<1x16x1024xf32, #tpu.memory_space<hbm>> -> memref<16x1024xf32, #tpu.memory_space<hbm>>
    %dma_wait3A_594 = arith.constant 0 : i32
    %dma_wait3A_595 = tpu.memref_slice %arg4[%dma_wait3A_590, %add3A_554, %dma_wait3A_594] : memref<4x2048x1024xf32, #tpu.memory_space<hbm>> -> memref<1x16x1024xf32, #tpu.memory_space<hbm>>
    %dma_wait3A_596 = tpu.memref_squeeze %dma_wait3A_595 : memref<1x16x1024xf32, #tpu.memory_space<hbm>> -> memref<16x1024xf32, #tpu.memory_space<hbm>>
    tpu.wait_dma2 semaphore(%arg18 : memref<!tpu.dma_semaphore, #tpu.memory_space<semaphore_mem>>) src(%arg8 : memref<16x1024xf32, #tpu.memory_space<vmem>>) dst(%dma_wait3A_596 : memref<16x1024xf32, #tpu.memory_space<hbm>>)
    %dma_wait3A_597 = arith.constant 3 : i32
    %dma_wait3A_598 = arith.constant 0 : i32
    %dma_wait3A_599 = tpu.memref_slice %arg2[%dma_wait3A_597, %add3A_533, %dma_wait3A_598] : memref<4x2048x1024xf32, #tpu.memory_space<hbm>> -> memref<1x16x1024xf32, #tpu.memory_space<hbm>>
    %dma_wait3A_600 = tpu.memref_squeeze %dma_wait3A_599 : memref<1x16x1024xf32, #tpu.memory_space<hbm>> -> memref<16x1024xf32, #tpu.memory_space<hbm>>
    %dma_wait3A_601 = arith.constant 0 : i32
    %dma_wait3A_602 = tpu.memref_slice %arg2[%dma_wait3A_597, %add3A_533, %dma_wait3A_601] : memref<4x2048x1024xf32, #tpu.memory_space<hbm>> -> memref<1x16x1024xf32, #tpu.memory_space<hbm>>
    %dma_wait3A_603 = tpu.memref_squeeze %dma_wait3A_602 : memref<1x16x1024xf32, #tpu.memory_space<hbm>> -> memref<16x1024xf32, #tpu.memory_space<hbm>>
    tpu.wait_dma2 semaphore(%arg16 : memref<!tpu.dma_semaphore, #tpu.memory_space<semaphore_mem>>) src(%dma_wait3A_603 : memref<16x1024xf32, #tpu.memory_space<hbm>>) dst(%arg10 : memref<16x1024xf32, #tpu.memory_space<vmem>>)
    %scan3A_604 = arith.constant 0 : i32
    %scan3A_605 = arith.constant 16 : i32
    %scan3A_606 = arith.addi %scan3A_604, %scan3A_605 : i32
    %scan3A_607 = arith.constant 1 : i32
    scf.for %scan3A_632 = %scan3A_604 to %scan3A_606 step %scan3A_607  : i32 {
      %mul3A_633 = arith.constant 1 : i32
      %mul3A_634 = arith.muli %scan3A_632, %mul3A_633 : i32
      %add3A_635 = arith.constant 0 : i32
      %add3A_636 = arith.addi %add3A_635, %mul3A_634 : i32
      %parallel_loop3A = arith.constant 0 : i32
      %parallel_loop3A_637 = arith.constant 1024 : i32
      %parallel_loop3A_638 = arith.constant 16 : i32
      scf.for %parallel_loop3A_639 = %parallel_loop3A to %parallel_loop3A_637 step %parallel_loop3A_638  : i32 {
        %parallel_loop3A_640 = arith.index_cast %add3A_636 : i32 to index
        %parallel_loop3A_641 = arith.index_cast %parallel_loop3A_639 : i32 to index
        %parallel_loop3A_642 = tpu.vector_load %arg6[%parallel_loop3A_640, %parallel_loop3A_641] {strides = array<i32>} : memref<16x1024xf32, #tpu.memory_space<vmem>>, vector<1x16xf32>,
        %parallel_loop3A_643 = vector.shape_cast %parallel_loop3A_642 : vector<1x16xf32> to vector<16xf32>
        %parallel_loop3A_644 = arith.index_cast %add3A_636 : i32 to index
        %parallel_loop3A_645 = arith.index_cast %parallel_loop3A_639 : i32 to index
        %parallel_loop3A_646 = tpu.vector_load %arg10[%parallel_loop3A_644, %parallel_loop3A_645] {strides = array<i32>} : memref<16x1024xf32, #tpu.memory_space<vmem>>, vector<1x16xf32>,
        %parallel_loop3A_647 = vector.shape_cast %parallel_loop3A_646 : vector<1x16xf32> to vector<16xf32>
        %parallel_loop3A_648 = vector.shape_cast %parallel_loop3A_643 : vector<16xf32> to vector<1x16xf32>
        tpu.vector_store %arg10[%parallel_loop3A_644, %parallel_loop3A_645], %parallel_loop3A_648 {add = true, strides = array<i32>} : memref<16x1024xf32, #tpu.memory_space<vmem>>, vector<1x16xf32>,
      } {sc.loop_unroll_factor = 8 : i64, sc.parallel_access}
    }
    %scan3A_608 = arith.constant 16 : i32
    %add3A_609 = arith.constant 48 : i32
    %add3A_610 = arith.addi %mul3A_2, %add3A_609 : i32
    %dma_start3A_611 = arith.constant 3 : i32
    %dma_start3A_612 = arith.constant 0 : i32
    %dma_start3A_613 = tpu.memref_slice %arg4[%dma_start3A_611, %add3A_610, %dma_start3A_612] : memref<4x2048x1024xf32, #tpu.memory_space<hbm>> -> memref<1x16x1024xf32, #tpu.memory_space<hbm>>
    %dma_start3A_614 = tpu.memref_squeeze %dma_start3A_613 : memref<1x16x1024xf32, #tpu.memory_space<hbm>> -> memref<16x1024xf32, #tpu.memory_space<hbm>>
    %dma_start3A_615 = arith.constant 0 : i32
    %dma_start3A_616 = tpu.memref_slice %arg4[%dma_start3A_611, %add3A_610, %dma_start3A_615] : memref<4x2048x1024xf32, #tpu.memory_space<hbm>> -> memref<1x16x1024xf32, #tpu.memory_space<hbm>>
    %dma_start3A_617 = tpu.memref_squeeze %dma_start3A_616 : memref<1x16x1024xf32, #tpu.memory_space<hbm>> -> memref<16x1024xf32, #tpu.memory_space<hbm>>
    tpu.enqueue_dma source(%arg10 : memref<16x1024xf32, #tpu.memory_space<vmem>>) target(%dma_start3A_617 : memref<16x1024xf32, #tpu.memory_space<hbm>>) target_semaphore(%arg20 : memref<!tpu.dma_semaphore, #tpu.memory_space<semaphore_mem>>)
    %dma_wait3A_618 = arith.constant 2 : i32
    %dma_wait3A_619 = arith.constant 0 : i32
    %dma_wait3A_620 = tpu.memref_slice %arg4[%dma_wait3A_618, %add3A_582, %dma_wait3A_619] : memref<4x2048x1024xf32, #tpu.memory_space<hbm>> -> memref<1x16x1024xf32, #tpu.memory_space<hbm>>
    %dma_wait3A_621 = tpu.memref_squeeze %dma_wait3A_620 : memref<1x16x1024xf32, #tpu.memory_space<hbm>> -> memref<16x1024xf32, #tpu.memory_space<hbm>>
    %dma_wait3A_622 = arith.constant 0 : i32
    %dma_wait3A_623 = tpu.memref_slice %arg4[%dma_wait3A_618, %add3A_582, %dma_wait3A_622] : memref<4x2048x1024xf32, #tpu.memory_space<hbm>> -> memref<1x16x1024xf32, #tpu.memory_space<hbm>>
    %dma_wait3A_624 = tpu.memref_squeeze %dma_wait3A_623 : memref<1x16x1024xf32, #tpu.memory_space<hbm>> -> memref<16x1024xf32, #tpu.memory_space<hbm>>
    tpu.wait_dma2 semaphore(%arg19 : memref<!tpu.dma_semaphore, #tpu.memory_space<semaphore_mem>>) src(%arg9 : memref<16x1024xf32, #tpu.memory_space<vmem>>) dst(%dma_wait3A_624 : memref<16x1024xf32, #tpu.memory_space<hbm>>)
    %dma_wait3A_625 = arith.constant 3 : i32
    %dma_wait3A_626 = arith.constant 0 : i32
    %dma_wait3A_627 = tpu.memref_slice %arg4[%dma_wait3A_625, %add3A_610, %dma_wait3A_626] : memref<4x2048x1024xf32, #tpu.memory_space<hbm>> -> memref<1x16x1024xf32, #tpu.memory_space<hbm>>
    %dma_wait3A_628 = tpu.memref_squeeze %dma_wait3A_627 : memref<1x16x1024xf32, #tpu.memory_space<hbm>> -> memref<16x1024xf32, #tpu.memory_space<hbm>>
    %dma_wait3A_629 = arith.constant 0 : i32
    %dma_wait3A_630 = tpu.memref_slice %arg4[%dma_wait3A_625, %add3A_610, %dma_wait3A_629] : memref<4x2048x1024xf32, #tpu.memory_space<hbm>> -> memref<1x16x1024xf32, #tpu.memory_space<hbm>>
    %dma_wait3A_631 = tpu.memref_squeeze %dma_wait3A_630 : memref<1x16x1024xf32, #tpu.memory_space<hbm>> -> memref<16x1024xf32, #tpu.memory_space<hbm>>
    tpu.wait_dma2 semaphore(%arg20 : memref<!tpu.dma_semaphore, #tpu.memory_space<semaphore_mem>>) src(%arg10 : memref<16x1024xf32, #tpu.memory_space<vmem>>) dst(%dma_wait3A_631 : memref<16x1024xf32, #tpu.memory_space<hbm>>)
    return
  }
}

</mosaic_0001>

<sc_bundles>
// kernel: kernel.3.cloned.1.call-start
scs
__scs_entry_jumppad:
0x0: {  	(pc) =	sbr.rel $0x88, $3  }
0x1: {  	(tag) =	ssettag $0x0;
	lr =	simm.s32 $0x1  }
0x2: {  	[smem:$0x3F9F] =	sst lr;
	_ =	strace $0xD0000000  }
0x3: {  	_ = 	snop  }
0x4: {  	_ = 	snop  }
0x5: {  	_ = 	snop  }
0x6: {  	_ = 	snop  }
0x7: {  	_ = 	snop  }
__scs_overlays_trampoline_lowered:
0x8: {  	[smem:$0x3FAE] =	sst s0  }
0x9: {  	[smem:$0x3FAF] =	sst s1  }
0xa: {  	[smem:$0x3FB0] =	sst s2  }
0xb: {  	[smem:$0x3FB1] =	sst s3  }
0xc: {  	[smem:$0x3FB2] =	sst s4  }
0xd: {  	[smem:$0x3FB3] =	sst s5  }
0xe: {  	[smem:$0x3FB4] =	sst s6  }
0xf: {  	[smem:$0x3FB5] =	sst s7  }
0x10: {  	[smem:$0x3FB6] =	sst s8  }
0x11: {  	[smem:$0x3FB7] =	sst s9;
	s0 =	simm.s32 @!p0 $0x0  }
0x12: {  	s1 =	sld [smem:$0x3F9D];
	s0 =	simm.s32 @p0 $0x1  }
0x13: {  	[smem:$0x3FB8] =	sst s0;
	s0 =	simm.s32 @!p1 $0x0  }
0x14: {  	s2 =	sld [smem:$0x3F9C];
	s0 =	simm.s32 @p1 $0x1  }
0x15: {  	[smem:$0x3FB9] =	sst s0;
	s0 =	simm.s32 @!p2 $0x0  }
0x16: {  	s3 =	sld [smem:$0x3FDB];
	s0 =	simm.s32 @p2 $0x1  }
0x17: {  	s4 =	simm.s32 $0x1BF5;
	[smem:$0x3FBB] =	sst s0  }
0x18: {  	s0 =	sld [smem:$0x3F9E];
	_ =	swait.ge [sflag:s4], $0x0  }
0x19: {  	s7 =	sld [smem:$0x3F9F]  }
0x1a: {  	s8 =	sadd.s32 $0xFFFFE003, lr  }
0x1b: {  	s9 =	sadd.s32 $0xFFFFFEF7, lr;
	s5 =	simm.s32 $0xFFFFFFFF;
	p2 =	slt.u32 s8, $0xFFFFF086  }
0x1c: {  	p1 =	slt.u32 s9, $0xF7A;
	s5 =	simm.s32 @!p2 $0x0  }
0x1d: {  	s5 =	simm.s32 @p1 $0x1;
	p0 =	seq.s32 s7, s2  }
0x1e: {  	s7 =	smul.u32 @!p0 $0xF7A, s2;
	p2 =	seq.s32 @!p0 s5, $0x0  }
0x1f: {  	s9 =	smul.u32 $0xF7A, s1;
	s8 =	simm.s32 @!p0 $0x1BF5;
	p2 =	por !p2, p0  }
0x20: {  	[sflag:s8] =	ssyncset.s32 @!p0 $0xFFFFF086;
	s6 =	sadd.s32 @!p0 s3, s7;
	s7 =	simm.s32 @!p0 $0x108  }
0x21: {  	s3 =	sadd.s32 s3, s9;
	s6 =	sadd.s32 @!p0 $0x88, s6;
	s7 =	simm.s32 @p2 $0x1082  }
0x22: {  	[simem:s7], [sflag:s8] =	dma.local @!p0 [hbm:s6], $0xF7A  }
0x23: {  	s9 =	sor.u32 $0xD0000000, s2;
	s6 =	simm.s32 $0x108;
	_ =	swait.ge @!p0 [sflag:s8], $0x0  }
0x24: {  	s3 =	sadd.s32 $0x88, s3;
	s6 =	simm.s32 @!p1 $0x1082;
	[sflag:s4] =	ssyncset.s32 $0xFFFFF086  }
0x25: {  	[simem:s6], [sflag:s4] =	dma.local [hbm:s3], $0xF7A  }
0x26: {  	[smem:$0x3F9F] =	sst s1;
	(tag) =	ssettag s2;
	_ =	strace s9  }
0x27: {  	s1 =	sld [smem:$0x3FAF]  }
0x28: {  	s2 =	sld [smem:$0x3FB0]  }
0x29: {  	s4 =	sld [smem:$0x3FB2]  }
0x2a: {  	p0 =	seq.s32 s5, $0x0;
	s5 =	sld [smem:$0x3FB3]  }
0x2b: {  	s6 =	sld [smem:$0x3FB4]  }
0x2c: {  	s7 =	sld [smem:$0x3FB5]  }
0x2d: {  	s3 =	simm.s32 $0x108;
	s8 =	sld [smem:$0x3FB6]  }
0x2e: {  	s3 =	simm.s32 @!p0 $0x1082;
	s9 =	sld [smem:$0x3FB7]  }
0x2f: {  	lr =	sadd.s32 s0, s3;
	s0 =	sld [smem:$0x3FAE]  }
0x30: {  	s3 =	sld [smem:$0x3FB1]  }
0x31: {  	[smem:$0x3FBA] =	sst s10  }
0x32: {  	s10 =	sld [smem:$0x3FB8];
	_ =	sdelay $0x3  }
0x33: {  	p0 =	seq.s32 s10, $0x1;
	s10 =	sld [smem:$0x3FBA];
	_ =	sdelay $0x3  }
0x34: {  	[smem:$0x3FBA] =	sst s10  }
0x35: {  	s10 =	sld [smem:$0x3FB9];
	_ =	sdelay $0x3  }
0x36: {  	p1 =	seq.s32 s10, $0x1;
	s10 =	sld [smem:$0x3FBA];
	_ =	sdelay $0x3  }
0x37: {  	[smem:$0x3FBA] =	sst s10  }
0x38: {  	s10 =	sld [smem:$0x3FBB]  }
0x39: {  	_ = 	snop;
	(pc) =	sbr.ind lr, $3  }
0x3a: {  	_ = 	snop  }
0x3b: {  	_ = 	snop  }
0x3c: {  	p2 =	seq.s32 s10, $0x1;
	s10 =	sld [smem:$0x3FBA]  }
0x3d: {  	_ =	shalt  }
0x3e: {  	_ =	shalt  }
0x3f: {  	_ =	shalt  }
0x40: {  	_ =	shalt  }
0x41: {  	_ =	shalt  }
0x42: {  	_ =	shalt  }
0x43: {  	_ =	shalt  }
0x44: {  	_ =	shalt  }
0x45: {  	_ =	shalt  }
0x46: {  	_ =	shalt  }
0x47: {  	_ =	shalt  }
0x48: {  	_ =	shalt  }
0x49: {  	_ =	shalt  }
0x4a: {  	_ =	shalt  }
0x4b: {  	_ =	shalt  }
0x4c: {  	_ =	shalt  }
0x4d: {  	_ =	shalt  }
0x4e: {  	_ =	shalt  }
0x4f: {  	_ =	shalt  }
0x50: {  	_ =	shalt  }
0x51: {  	_ =	shalt  }
0x52: {  	_ =	shalt  }
0x53: {  	_ =	shalt  }
0x54: {  	_ =	shalt  }
0x55: {  	_ =	shalt  }
0x56: {  	_ =	shalt  }
0x57: {  	_ =	shalt  }
0x58: {  	_ =	shalt  }
0x59: {  	_ =	shalt  }
0x5a: {  	_ =	shalt  }
0x5b: {  	_ =	shalt  }
0x5c: {  	_ =	shalt  }
0x5d: {  	_ =	shalt  }
0x5e: {  	_ =	shalt  }
0x5f: {  	_ =	shalt  }
0x60: {  	_ =	shalt  }
0x61: {  	_ =	shalt  }
0x62: {  	_ =	shalt  }
0x63: {  	_ =	shalt  }
0x64: {  	_ =	shalt  }
0x65: {  	_ =	shalt  }
0x66: {  	_ =	shalt  }
0x67: {  	_ =	shalt  }
0x68: {  	_ =	shalt  }
0x69: {  	_ =	shalt  }
0x6a: {  	_ =	shalt  }
0x6b: {  	_ =	shalt  }
0x6c: {  	_ =	shalt  }
0x6d: {  	_ =	shalt  }
0x6e: {  	_ =	shalt  }
0x6f: {  	_ =	shalt  }
0x70: {  	_ =	shalt  }
0x71: {  	_ =	shalt  }
0x72: {  	_ =	shalt  }
0x73: {  	_ =	shalt  }
0x74: {  	_ =	shalt  }
0x75: {  	_ =	shalt  }
0x76: {  	_ =	shalt  }
0x77: {  	_ =	shalt  }
0x78: {  	_ =	shalt  }
0x79: {  	_ =	shalt  }
0x7a: {  	_ =	shalt  }
0x7b: {  	_ =	shalt  }
0x7c: {  	_ =	shalt  }
0x7d: {  	_ =	shalt  }
0x7e: {  	_ =	shalt  }
0x7f: {  	_ =	shalt  }
0x80: {  	_ =	shalt  }
0x81: {  	_ =	shalt  }
0x82: {  	_ =	shalt  }
0x83: {  	_ =	shalt  }
0x84: {  	_ =	shalt  }
0x85: {  	_ =	shalt  }
0x86: {  	_ =	shalt  }
0x87: {  	_ =	shalt  }
.Lfunc_end0:
.L_simem_size_0:
called_computation_lowered:
.L_overlay_start_0:
0x88: {  	s2 =	sld [smem:$0x3FD9]  }
0x89: {  	s3 =	sld [smem:$0x3FFE];
	_ =	sdelay $0x1  }
0x8a: {  	s1 =	srdreg.scid  }
0x8b: {  	s0 =	sand.u32 $0x1, s1  }
0x8c: {  	s18 =	sshll.u32 s0, $0xA;
	s2 =	sadd.s32 s3, s2  }
0x8d: {  	s2 =	sadd.s32 s2, s18  }
0x8e: {  	[smem:$0x3FC6] =	sst s2  }
0x8f: {  	_ = 	snop  }
0x90: {  	s2 =	sld [smem:$0x3FC9]  }
0x91: {  	s19 =	sld [smem:$0x3FC8]  }
0x92: {  	s4 =	sld [smem:$0x3FD0];
	(tm) =	ssettm $0x1  }
0x93: {  	s5 =	sld [smem:$0x3FFB];
	_ =	sdelay $0x3  }
0x94: {  	_ =	strace s5  }
0x95: {  	s5 =	sld [smem:$0x3FFC];
	_ =	sdelay $0x3  }
0x96: {  	_ =	strace s5  }
0x97: {  	s5 =	sld [smem:$0x3FFD];
	_ =	sdelay $0x3  }
0x98: {  	_ =	strace s5  }
0x99: {  	_ =	strace $0x8FFFFFFF  }
0x9a: {  	s20 =	sld [smem:$0x3FDB];
	_ =	sdelay $0x1  }
0x9b: {  	s6 =	simm.s32 $_scs_section_size  }
0x9c: {  	s7 =	simm.s32 $_size__tile_overlayer_lowered;
	s8 =	simm.s32 $_tile_overlayer_lowered  }
0x9d: {  	s23 =	simm.s32 $0x1BFF;
	s22 =	sshll.u32 s8, $0x1;
	s5 =	sadd.s32 s6, s20  }
0x9e: {  	s9 =	simm.s32 $0x0;
	s21 =	sshll.u32 s7, $0x1;
	s7 =	sadd.s32 s22, s5  }
0x9f: {  	[timem:s9], [sflag:s23] =	dma.local [hbm:s7], s21  }
0xa0: {  	_ =	swait.ge [sflag:s23], s21  }
0xa1: {  	s6 =	ssub.s32 $0x0, s21;
	[sflag:s23] =	ssyncset.done $0x0  }
0xa2: {  	[sflag:s23] =	ssyncadd.s32 s6;
	_ =	sdelay $0x1  }
0xa3: {  	s24 =	simm.s32 $0x1B8B  }
0xa4: {  	_ =	swait.ge [sflag:s24], $0x1  }
0xa5: {  	[sflag:s24] =	ssyncset.done $0x0  }
0xa6: {  	s25 =	simm.s32 $0x1B8E;
	[sflag:s24] =	ssyncadd.s32 $0xFFFFFFFF  }
0xa7: {  	s26 =	simm.s32 $execute0_lowered;
	[smem:$0x3FD2] =	sst s25  }
0xa8: {  	s6 =	sshll.u32 s26, $0x1;
	_ =	strace $0x80000046;
	[dreg:$0x1] =	wrdreg $0xFFFFFFFF  }
0xa9: {  	s28 =	simm.s32 $_size_execute0_lowered;
	s5 =	sadd.s32 s5, s6;
	[dreg:$0x0] =	wrdreg $0x0  }
0xaa: {  	s6 =	sshll.u32 s28, $0x1;
	[dreg:$0x2] =	wrdreg s5  }
0xab: {  	[dreg:$0x3] =	wrdreg s6  }
0xac: {  	[dreg:$0x4] =	wrdreg $0xC0  }
0xad: {  	_ =	task [dreg:s9], $0x5FFFF  }
0xae: {  	[dreg:$0x1] =	wrdreg $0xFFFFFFFF  }
0xaf: {  	[dreg:$0x0] =	wrdreg $0x60  }
0xb0: {  	[dreg:$0x2] =	wrdreg s2  }
0xb1: {  	[dreg:$0x3] =	wrdreg s19  }
0xb2: {  	[dreg:$0x4] =	wrdreg s4  }
0xb3: {  	[dreg:$0x5] =	wrdreg $0x9  }
0xb4: {  	_ =	task.clear_ibuf [dreg:s9], $0x6FFFF;
	_ =	strace $0x90000046  }
0xb5: {  	s29 =	simm.s32 $0x9;
	_ =	strace $0x80000048  }
0xb6: {  	_ =	swait.ge [sflag:s29], $0x1  }
0xb7: {  	[sflag:s29] =	ssyncadd.s32 $0xFFFFFFFF  }
0xb8: {  	_ =	strace $0x90000048  }
0xb9: {  	_ =	sfence  }
0xba: {  	s30 =	sld [smem:$0x0];
	_ =	sdelay $0x2  }
0xbb: {  	s31 =	sshll.u32 s1, $0xD;
	s1 =	sshrl.u32 s1, $0x2  }
0xbc: {  	s3 =	sand.u32 $0x4000, s31;
	s1 =	sadd.s32 s1, s30  }
0xbd: {  	s0 =	sor.u32 s3, s0;
	s1 =	sshll.u32 s1, $0x11  }
0xbe: {  	s0 =	sor.u32 s1, s0  }
0xbf: {  	s0 =	sadd.s32 $0x8F2B, s0  }
0xc0: {  	[sflag:s0] =	ssyncadd.remote.s32 $0x1  }
0xc1: {  	_ =	sfence.sel $0xFFFF  }
0xc2: {  	[dreg:$0x0] =	wrdreg $0xFFFFFFFF;
	(pc) =	sbr.abs _section_cstart, $3  }
0xc3: {  	[dreg:$0x1] =	wrdreg $0xFFFFFFFF  }
0xc4: {  	_ =	task.clear_ibuf [dreg:s9], $0x2FFFF;
	_ =	strace $0x9FFFFFFF  }
0xc5: {  	(tm) =	ssettm $0x7FFFFFFF  }
tec
execute0_lowered:
.L_overlay_start_1:
0x0: {  	(tag) =	ssettag $0x1  }
0x1: {  	s4 =	rddreg [dreg:$0x0];
	s1 =	srdreg.scid  }
0x2: {  	s0 =	rddreg [dreg:$0x1];
	s3 =	stileid.u32;
	s1 =	sand.u32 $0x1, s1  }
0x3: {  	s7 =	rddreg [dreg:$0x2];
	s3 =	sshll.u32 s3, $0xE;
	s5 =	sshll.u32 s1, $0xD  }
0x4: {  	s2 =	ssub.s32 $0x2, s1;
	s1 =	simm.s32 $0x0;
	s3 =	sor.u32 s5, s3  }
0x5: {  	[smem:$0x7FF] =	sst s1;
	s15 =	sor.u32 $0x800, s3;
	s5 =	sadd.s32 s0, s3  }
0x6: {  	s17 =	sor.u32 $0x40000, s3;
	[dreg:$0x4] =	wrdreg s5;
	s16 =	sadd.s32 s0, s15  }
0x7: {  	s19 =	sor.u32 $0x80000, s3;
	s18 =	sadd.s32 s4, s17;
	[dreg:$0x5] =	wrdreg s16  }
0x8: {  	s9 =	sor.u32 $0xC0000, s3;
	s10 =	sadd.s32 s4, s19;
	[dreg:$0x6] =	wrdreg s18  }
0x9: {  	s20 =	sadd.s32 s4, s9;
	[dreg:$0x7] =	wrdreg s10  }
0xa: {  	s6 =	sshrl.u32 s2, $0x1;
	s5 =	sadd.s32 s7, s17;
	[dreg:$0x8] =	wrdreg s20  }
0xb: {  	s8 =	ssub.s32 s2, s6;
	s21 =	sadd.s32 s4, s15;
	[dreg:$0x9] =	wrdreg s5  }
0xc: {  	s23 =	sor.u32 $0x40800, s3;
	s22 =	sadd.s32 s7, s19;
	[dreg:$0xa] =	wrdreg s21  }
0xd: {  	s26 =	sor.u32 $0x1000, s3;
	s24 =	sadd.s32 s4, s23;
	[dreg:$0xb] =	wrdreg s22  }
0xe: {  	s29 =	sor.u32 $0x80800, s3;
	s25 =	sadd.s32 s7, s9;
	[dreg:$0xc] =	wrdreg s24  }
0xf: {  	s30 =	sor.u32 $0xC0800, s3;
	s28 =	sadd.s32 s0, s26;
	[dreg:$0xd] =	wrdreg s25  }
0x10: {  	s13 =	sor.u32 $0x1800, s3;
	s11 =	sadd.s32 s4, s29;
	[dreg:$0xe] =	wrdreg s28  }
0x11: {  	s2 =	sadd.s32 s7, s15;
	s31 =	sadd.s32 s4, s30;
	[dreg:$0xf] =	wrdreg s11  }
0x12: {  	s12 =	sadd.s32 s7, s29;
	s14 =	sadd.s32 s7, s30;
	[dreg:$0x10] =	wrdreg s2  }
0x13: {  	s0 =	sadd.s32 s0, s13;
	s15 =	sor.u32 $0x41000, s3;
	[dreg:$0x11] =	wrdreg s31  }
0x14: {  	s17 =	sadd.s32 s7, s26;
	s19 =	sor.u32 $0x81000, s3;
	[dreg:$0x13] =	wrdreg s12  }
0x15: {  	s29 =	sor.u32 $0x41800, s3;
	s30 =	sor.u32 $0x81800, s3;
	[dreg:$0x14] =	wrdreg s14  }
0x16: {  	s8 =	smax.u32 s8, $0x1;
	s9 =	simm.s32 $0x0;
	[dreg:$0x15] =	wrdreg s0  }
0x17: {  	s11 =	sadd.s32 s7, s23;
	s16 =	sadd.s32 s4, s26;
	[dreg:$0x17] =	wrdreg s17  }
0x18: {  	s18 =	sadd.s32 s4, s15;
	s0 =	sadd.s32 s7, s15;
	s20 =	sor.u32 $0xC1000, s3  }
0x19: {  	s21 =	sadd.s32 s4, s19;
	s24 =	sadd.s32 s4, s13;
	s25 =	sadd.s32 s7, s13  }
0x1a: {  	s26 =	sadd.s32 s4, s3;
	s28 =	sadd.s32 s7, s3;
	[dreg:$0x12] =	wrdreg s11  }
0x1b: {  	s31 =	sor.u32 $0xC1800, s3;
	s2 =	sadd.s32 s4, s29;
	[dreg:$0x16] =	wrdreg s16  }
0x1c: {  	s3 =	sadd.s32 s4, s30;
	s5 =	sadd.s32 s7, s29;
	[dreg:$0x18] =	wrdreg s18  }
0x1d: {  	s6 =	sadd.s32 s7, s30;
	s10 =	simm.s32 $0x8000;
	[dreg:$0x19] =	wrdreg s0  }
0x1e: {  	s12 =	simm.s32 $0x10000;
	s13 =	simm.s32 $0x3;
	[dreg:$0x1a] =	wrdreg s21  }
0x1f: {  	s14 =	simm.s32 $0x1;
	s15 =	simm.s32 $0x14000;
	[dreg:$0x1e] =	wrdreg s24  }
0x20: {  	s17 =	simm.s32 $0x7;
	s0 =	sadd.s32 s7, s19;
	[dreg:$0x1f] =	wrdreg s25  }
0x21: {  	s22 =	sadd.s32 s4, s20;
	s23 =	sadd.s32 s7, s20;
	[smem:$0x7FC] =	sst s26  }
0x22: {  	[smem:$0x7FD] =	sst s28;
	s4 =	sadd.s32 s4, s31;
	s7 =	sadd.s32 s7, s31  }
0x23: {  	s11 =	simm.s32 $0xC000;
	s16 =	simm.s32 $0x4;
	[dreg:$0x1b] =	wrdreg s0  }
0x24: {  	s18 =	simm.s32 $0x5;
	s19 =	simm.s32 $0x8;
	[dreg:$0x1c] =	wrdreg s22  }
0x25: {  	s20 =	simm.s32 $0x6;
	s21 =	simm.s32 $0x9;
	[dreg:$0x1d] =	wrdreg s23  }
0x26: {  	s22 =	simm.s32 $0x2;
	s23 =	simm.s32 $0xA;
	_ =	strace $0x80000047  }
.LBB2_1:
0x27: {  	s0 =	rddreg [dreg:$0x4]  }
0x28: {  	s28 =	rddreg [dreg:$0x5]  }
0x29: {  	[tilespmem:s1], [sflag:$0x1] =	stream.linear.gather [hbm4b:s0+s1], $0x4000, $0x38;
	[tilespmem:$0x18000] =	vst v63  }
0x2a: {  	s24 =	simm.s32 $0x4000;
	s29 =	sld [smem:$0x7FC]  }
0x2b: {  	[tilespmem:s24], [sflag:$0x2] =	stream.linear.gather [hbm4b:s28+s1], $0x4000, $0x38;
	[tilespmem:$0x18000] =	vst v63  }
0x2c: {  	_ = 	snop  }
0x2d: {  	[tilespmem:s10], [sflag:$0x3] =	stream.linear.gather [hbm4b:s29+s1], $0x4000, $0x38;
	[tilespmem:$0x18000] =	vst v63  }
0x2e: {  	s30 =	rddreg [dreg:$0x6]  }
0x2f: {  	[tilespmem:s11], [sflag:$0x4] =	stream.linear.gather [hbm4b:s30+s1], $0x4000, $0x38;
	[tilespmem:$0x18000] =	vst v63  }
0x30: {  	s31 =	rddreg [dreg:$0x7]  }
0x31: {  	[tilespmem:s12], [sflag:$0x5] =	stream.linear.gather [hbm4b:s31+s1], $0x4000, $0x38;
	[tilespmem:$0x18000] =	vst v63  }
0x32: {  	_ =	swait.ge [sflag:s13], $0x4000  }
0x33: {  	[sflag:s13] =	ssyncset.done $0x0  }
0x34: {  	[sflag:s13] =	ssyncadd.s32 $0xFFFFC000  }
0x35: {  	_ =	swait.ge [sflag:s14], $0x4000  }
0x36: {  	s25 =	simm.s32 $0x0;
	[sflag:s14] =	ssyncset.done $0x0  }
0x37: {  	s26 =	simm.s32 $0x0;
	s24 =	simm.s32 $0x0;
	[sflag:s14] =	ssyncadd.s32 $0xFFFFC000  }
.LBB2_2:
0x38: {  	s28 =	sand.u32 $0x7, s25  }
0x39: {  	s28 =	sshll.u32 s28, $0x9  }
0x3a: {  	s28 =	sshrl.u32 s28, $0x2  }
0x3b: {  	v0 =	vmov s28;
	_ =	sdelay $0x2  }
0x3c: {  	s29 =	sand.u32 $0x3FFFE000, s24  }
0x3d: {  	s31 =	sor.u32 $0x40, s29  }
0x3e: {  	v1 =	vld.idx.msk [tilespmem:v0+s31+$0x30 ss:$0x1], $0xffff  }
0x3f: {  	v2 =	vld.idx.msk [tilespmem:v0+s31+$0xFFFFFFD0 ss:$0x1], $0xffff  }
0x40: {  	v3 =	vld.idx.msk [tilespmem:v0+s31+$0xFFFFFFE0 ss:$0x1], $0xffff  }
0x41: {  	v4 =	vld.idx.msk [tilespmem:v0+s31+$0xFFFFFFF0 ss:$0x1], $0xffff  }
0x42: {  	v5 =	vld.idx.msk [tilespmem:v0+s31+$0x0 ss:$0x1], $0xffff  }
0x43: {  	s29 =	sadd.s32 $0x8000, s29;
	v6 =	vld.idx.msk [tilespmem:v0+s31+$0x10 ss:$0x1], $0xffff  }
0x44: {  	s0 =	sadd.s32 s28, s29;
	v7 =	vld.idx.msk [tilespmem:v0+s31+$0xFFFFFFC0 ss:$0x1], $0xffff  }
0x45: {  	[tilespmem:s0+$0x70] =	vst.add.f32.msk $0xffff, v1  }
0x46: {  	v1 =	vld.idx.msk [tilespmem:v0+s31+$0x20 ss:$0x1], $0xffff  }
0x47: {  	[tilespmem:s0+$0x10] =	vst.add.f32.msk $0xffff, v2  }
0x48: {  	[tilespmem:s0+$0x20] =	vst.add.f32.msk $0xffff, v3  }
0x49: {  	[tilespmem:s0+$0x30] =	vst.add.f32.msk $0xffff, v4  }
0x4a: {  	[tilespmem:s0+$0x40] =	vst.add.f32.msk $0xffff, v5  }
0x4b: {  	[tilespmem:s0+$0x50] =	vst.add.f32.msk $0xffff, v6  }
0x4c: {  	[tilespmem:s0+$0x0] =	vst.add.f32.msk $0xffff, v7  }
0x4d: {  	s30 =	simm.s32 $0x0;
	s31 =	sadd.s32 $0x400, s31;
	[tilespmem:s0+$0x60] =	vst.add.f32.msk $0xffff, v1  }
.LBB2_3:
0x4e: {  	v1 =	vld.idx.msk [tilespmem:v0+s31+$0x30 ss:$0x1], $0xffff;
	s30 =	sadd.s32 $0x80, s30  }
0x4f: {  	v2 =	vld.idx.msk [tilespmem:v0+s31+$0xFFFFFFD0 ss:$0x1], $0xffff;
	p0 =	slt.u32 s30, $0x380  }
0x50: {  	v3 =	vld.idx.msk [tilespmem:v0+s31+$0xFFFFFFE0 ss:$0x1], $0xffff  }
0x51: {  	v4 =	vld.idx.msk [tilespmem:v0+s31+$0xFFFFFFF0 ss:$0x1], $0xffff  }
0x52: {  	s29 =	sadd.s32 $0x400, s29;
	v5 =	vld.idx.msk [tilespmem:v0+s31+$0x0 ss:$0x1], $0xffff  }
0x53: {  	s0 =	sadd.s32 s28, s29;
	v6 =	vld.idx.msk [tilespmem:v0+s31+$0x10 ss:$0x1], $0xffff  }
0x54: {  	[tilespmem:s0+$0x70] =	vst.add.f32.msk $0xffff, v1  }
0x55: {  	v1 =	vld.idx.msk [tilespmem:v0+s31+$0x20 ss:$0x1], $0xffff  }
0x56: {  	v7 =	vld.idx.msk [tilespmem:v0+s31+$0xFFFFFFC0 ss:$0x1], $0xffff  }
0x57: {  	[tilespmem:s0+$0x10] =	vst.add.f32.msk $0xffff, v2  }
0x58: {  	[tilespmem:s0+$0x20] =	vst.add.f32.msk $0xffff, v3  }
.Ltmp0:
0x59: {  	[tilespmem:s0+$0x30] =	vst.add.f32.msk $0xffff, v4;
	(pc) =	sbr.rel @p0 .LBB2_3-.Ltmp0, $4  }
0x5a: {  	[tilespmem:s0+$0x40] =	vst.add.f32.msk $0xffff, v5  }
0x5b: {  	[tilespmem:s0+$0x50] =	vst.add.f32.msk $0xffff, v6  }
0x5c: {  	[tilespmem:s0+$0x0] =	vst.add.f32.msk $0xffff, v7  }
0x5d: {  	s31 =	sadd.s32 $0x400, s31;
	[tilespmem:s0+$0x60] =	vst.add.f32.msk $0xffff, v1  }
0x5e: {  	s26 =	sadd.s32 $0x1, s26  }
0x5f: {  	p0 =	sne.s32 s26, $0x10  }
.Ltmp1:
0x60: {  	_ = 	snop;
	(pc) =	sbr.rel @p0 .LBB2_2-.Ltmp1, $2  }
0x61: {  	_ =	sdelay $0x2  }
0x62: {  	s25 =	sadd.s32 $0x1, s25;
	s24 =	sadd.s32 $0x400, s24  }
0x63: {  	s0 =	sld [smem:$0x7FD];
	_ =	sdelay $0x1  }
0x64: {  	s24 =	simm.s32 $0x0  }
0x65: {  	[hbm4b:s0+s24] =	stream.linear.scatter [tilespmem:s10], [sflag:$0x7], $0x4000, $0x38;
	[tilespmem:$0x18000] =	vst v63  }
0x66: {  	s31 =	rddreg [dreg:$0x8]  }
0x67: {  	[tilespmem:s15], [sflag:$0x6] =	stream.linear.gather [hbm4b:s31+s24], $0x4000, $0x38;
	[tilespmem:$0x18000] =	vst v63  }
0x68: {  	_ =	swait.ge [sflag:s16], $0x4000  }
0x69: {  	[sflag:s16] =	ssyncset.done $0x0  }
0x6a: {  	s25 =	simm.s32 $0x0;
	s26 =	simm.s32 $0x0;
	[sflag:s16] =	ssyncadd.s32 $0xFFFFC000  }
.LBB2_6:
0x6b: {  	s0 =	sand.u32 $0x7, s25  }
0x6c: {  	s0 =	sshll.u32 s0, $0x9  }
0x6d: {  	s28 =	sshrl.u32 s0, $0x2  }
0x6e: {  	v0 =	vmov s28;
	_ =	sdelay $0x2  }
0x6f: {  	s0 =	sand.u32 $0x3FFFE000, s24  }
0x70: {  	s31 =	sor.u32 $0x40, s0  }
0x71: {  	v1 =	vld.idx.msk [tilespmem:v0+s31+$0x30 ss:$0x1], $0xffff  }
0x72: {  	v2 =	vld.idx.msk [tilespmem:v0+s31+$0xFFFFFFD0 ss:$0x1], $0xffff  }
0x73: {  	v3 =	vld.idx.msk [tilespmem:v0+s31+$0xFFFFFFE0 ss:$0x1], $0xffff  }
0x74: {  	v4 =	vld.idx.msk [tilespmem:v0+s31+$0xFFFFFFF0 ss:$0x1], $0xffff  }
0x75: {  	v5 =	vld.idx.msk [tilespmem:v0+s31+$0x0 ss:$0x1], $0xffff  }
0x76: {  	s29 =	sadd.s32 $0xC000, s0;
	v6 =	vld.idx.msk [tilespmem:v0+s31+$0x10 ss:$0x1], $0xffff  }
0x77: {  	s0 =	sadd.s32 s28, s29;
	v7 =	vld.idx.msk [tilespmem:v0+s31+$0xFFFFFFC0 ss:$0x1], $0xffff  }
0x78: {  	[tilespmem:s0+$0x70] =	vst.add.f32.msk $0xffff, v1  }
0x79: {  	v1 =	vld.idx.msk [tilespmem:v0+s31+$0x20 ss:$0x1], $0xffff  }
0x7a: {  	[tilespmem:s0+$0x10] =	vst.add.f32.msk $0xffff, v2  }
0x7b: {  	[tilespmem:s0+$0x20] =	vst.add.f32.msk $0xffff, v3  }
0x7c: {  	[tilespmem:s0+$0x30] =	vst.add.f32.msk $0xffff, v4  }
0x7d: {  	[tilespmem:s0+$0x40] =	vst.add.f32.msk $0xffff, v5  }
0x7e: {  	[tilespmem:s0+$0x50] =	vst.add.f32.msk $0xffff, v6  }
0x7f: {  	[tilespmem:s0+$0x0] =	vst.add.f32.msk $0xffff, v7  }
0x80: {  	s30 =	simm.s32 $0x0;
	s31 =	sadd.s32 $0x400, s31;
	[tilespmem:s0+$0x60] =	vst.add.f32.msk $0xffff, v1  }
.LBB2_7:
0x81: {  	v1 =	vld.idx.msk [tilespmem:v0+s31+$0x30 ss:$0x1], $0xffff;
	s30 =	sadd.s32 $0x80, s30  }
0x82: {  	v2 =	vld.idx.msk [tilespmem:v0+s31+$0xFFFFFFD0 ss:$0x1], $0xffff;
	p0 =	slt.u32 s30, $0x380  }
0x83: {  	v3 =	vld.idx.msk [tilespmem:v0+s31+$0xFFFFFFE0 ss:$0x1], $0xffff  }
0x84: {  	v4 =	vld.idx.msk [tilespmem:v0+s31+$0xFFFFFFF0 ss:$0x1], $0xffff  }
0x85: {  	s29 =	sadd.s32 $0x400, s29;
	v5 =	vld.idx.msk [tilespmem:v0+s31+$0x0 ss:$0x1], $0xffff  }
0x86: {  	s0 =	sadd.s32 s28, s29;
	v6 =	vld.idx.msk [tilespmem:v0+s31+$0x10 ss:$0x1], $0xffff  }
0x87: {  	[tilespmem:s0+$0x70] =	vst.add.f32.msk $0xffff, v1  }
0x88: {  	v1 =	vld.idx.msk [tilespmem:v0+s31+$0x20 ss:$0x1], $0xffff  }
0x89: {  	v7 =	vld.idx.msk [tilespmem:v0+s31+$0xFFFFFFC0 ss:$0x1], $0xffff  }
0x8a: {  	[tilespmem:s0+$0x10] =	vst.add.f32.msk $0xffff, v2  }
0x8b: {  	[tilespmem:s0+$0x20] =	vst.add.f32.msk $0xffff, v3  }
.Ltmp2:
0x8c: {  	[tilespmem:s0+$0x30] =	vst.add.f32.msk $0xffff, v4;
	(pc) =	sbr.rel @p0 .LBB2_7-.Ltmp2, $4  }
0x8d: {  	[tilespmem:s0+$0x40] =	vst.add.f32.msk $0xffff, v5  }
0x8e: {  	[tilespmem:s0+$0x50] =	vst.add.f32.msk $0xffff, v6  }
0x8f: {  	[tilespmem:s0+$0x0] =	vst.add.f32.msk $0xffff, v7  }
0x90: {  	s31 =	sadd.s32 $0x400, s31;
	[tilespmem:s0+$0x60] =	vst.add.f32.msk $0xffff, v1  }
0x91: {  	s26 =	sadd.s32 $0x1, s26  }
0x92: {  	p0 =	sne.s32 s26, $0x10  }
.Ltmp3:
0x93: {  	_ = 	snop;
	(pc) =	sbr.rel @p0 .LBB2_6-.Ltmp3, $2  }
0x94: {  	_ =	sdelay $0x2  }
0x95: {  	s25 =	sadd.s32 $0x1, s25;
	s24 =	sadd.s32 $0x400, s24  }
0x96: {  	s24 =	simm.s32 $0x0;
	s0 =	rddreg [dreg:$0x9]  }
0x97: {  	[hbm4b:s0+s24] =	stream.linear.scatter [tilespmem:s11], [sflag:$0x8], $0x4000, $0x38;
	[tilespmem:$0x18000] =	vst v63  }
0x98: {  	_ =	swait.ge [sflag:s17], $0x4000  }
0x99: {  	[sflag:s17] =	ssyncset.done $0x0  }
0x9a: {  	s31 =	rddreg [dreg:$0xa];
	[sflag:s17] =	ssyncadd.s32 $0xFFFFC000  }
0x9b: {  	[tilespmem:s10], [sflag:$0x3] =	stream.linear.gather [hbm4b:s31+s24], $0x4000, $0x38;
	[tilespmem:$0x18000] =	vst v63  }
0x9c: {  	_ =	swait.ge [sflag:s18], $0x4000  }
0x9d: {  	[sflag:s18] =	ssyncset.done $0x0  }
0x9e: {  	s25 =	simm.s32 $0x0;
	s26 =	simm.s32 $0x0;
	[sflag:s18] =	ssyncadd.s32 $0xFFFFC000  }
.LBB2_10:
0x9f: {  	s0 =	sand.u32 $0x7, s25  }
0xa0: {  	s0 =	sshll.u32 s0, $0x9  }
0xa1: {  	s28 =	sshrl.u32 s0, $0x2  }
0xa2: {  	v0 =	vmov s28;
	_ =	sdelay $0x2  }
0xa3: {  	s0 =	sand.u32 $0x3FFFE000, s24  }
0xa4: {  	s31 =	sor.u32 $0x40, s0  }
0xa5: {  	v1 =	vld.idx.msk [tilespmem:v0+s31+$0x30 ss:$0x1], $0xffff  }
0xa6: {  	v2 =	vld.idx.msk [tilespmem:v0+s31+$0xFFFFFFD0 ss:$0x1], $0xffff  }
0xa7: {  	v3 =	vld.idx.msk [tilespmem:v0+s31+$0xFFFFFFE0 ss:$0x1], $0xffff  }
0xa8: {  	v4 =	vld.idx.msk [tilespmem:v0+s31+$0xFFFFFFF0 ss:$0x1], $0xffff  }
0xa9: {  	v5 =	vld.idx.msk [tilespmem:v0+s31+$0x0 ss:$0x1], $0xffff  }
0xaa: {  	s29 =	sadd.s32 $0x10000, s0;
	v6 =	vld.idx.msk [tilespmem:v0+s31+$0x10 ss:$0x1], $0xffff  }
0xab: {  	s0 =	sadd.s32 s28, s29;
	v7 =	vld.idx.msk [tilespmem:v0+s31+$0xFFFFFFC0 ss:$0x1], $0xffff  }
0xac: {  	[tilespmem:s0+$0x70] =	vst.add.f32.msk $0xffff, v1  }
0xad: {  	v1 =	vld.idx.msk [tilespmem:v0+s31+$0x20 ss:$0x1], $0xffff  }
0xae: {  	[tilespmem:s0+$0x10] =	vst.add.f32.msk $0xffff, v2  }
0xaf: {  	[tilespmem:s0+$0x20] =	vst.add.f32.msk $0xffff, v3  }
0xb0: {  	[tilespmem:s0+$0x30] =	vst.add.f32.msk $0xffff, v4  }
0xb1: {  	[tilespmem:s0+$0x40] =	vst.add.f32.msk $0xffff, v5  }
0xb2: {  	[tilespmem:s0+$0x50] =	vst.add.f32.msk $0xffff, v6  }
0xb3: {  	[tilespmem:s0+$0x0] =	vst.add.f32.msk $0xffff, v7  }
0xb4: {  	s30 =	simm.s32 $0x0;
	s31 =	sadd.s32 $0x400, s31;
	[tilespmem:s0+$0x60] =	vst.add.f32.msk $0xffff, v1  }
.LBB2_11:
0xb5: {  	v1 =	vld.idx.msk [tilespmem:v0+s31+$0x30 ss:$0x1], $0xffff;
	s30 =	sadd.s32 $0x80, s30  }
0xb6: {  	v2 =	vld.idx.msk [tilespmem:v0+s31+$0xFFFFFFD0 ss:$0x1], $0xffff;
	p0 =	slt.u32 s30, $0x380  }
0xb7: {  	v3 =	vld.idx.msk [tilespmem:v0+s31+$0xFFFFFFE0 ss:$0x1], $0xffff  }
0xb8: {  	v4 =	vld.idx.msk [tilespmem:v0+s31+$0xFFFFFFF0 ss:$0x1], $0xffff  }
0xb9: {  	s29 =	sadd.s32 $0x400, s29;
	v5 =	vld.idx.msk [tilespmem:v0+s31+$0x0 ss:$0x1], $0xffff  }
0xba: {  	s0 =	sadd.s32 s28, s29;
	v6 =	vld.idx.msk [tilespmem:v0+s31+$0x10 ss:$0x1], $0xffff  }
0xbb: {  	[tilespmem:s0+$0x70] =	vst.add.f32.msk $0xffff, v1  }
0xbc: {  	v1 =	vld.idx.msk [tilespmem:v0+s31+$0x20 ss:$0x1], $0xffff  }
0xbd: {  	v7 =	vld.idx.msk [tilespmem:v0+s31+$0xFFFFFFC0 ss:$0x1], $0xffff  }
0xbe: {  	[tilespmem:s0+$0x10] =	vst.add.f32.msk $0xffff, v2  }
0xbf: {  	[tilespmem:s0+$0x20] =	vst.add.f32.msk $0xffff, v3  }
.Ltmp4:
0xc0: {  	[tilespmem:s0+$0x30] =	vst.add.f32.msk $0xffff, v4;
	(pc) =	sbr.rel @p0 .LBB2_11-.Ltmp4, $4  }
0xc1: {  	[tilespmem:s0+$0x40] =	vst.add.f32.msk $0xffff, v5  }
0xc2: {  	[tilespmem:s0+$0x50] =	vst.add.f32.msk $0xffff, v6  }
0xc3: {  	[tilespmem:s0+$0x0] =	vst.add.f32.msk $0xffff, v7  }
0xc4: {  	s31 =	sadd.s32 $0x400, s31;
	[tilespmem:s0+$0x60] =	vst.add.f32.msk $0xffff, v1  }
0xc5: {  	s26 =	sadd.s32 $0x1, s26  }
0xc6: {  	p0 =	sne.s32 s26, $0x10  }
.Ltmp5:
0xc7: {  	_ = 	snop;
	(pc) =	sbr.rel @p0 .LBB2_10-.Ltmp5, $2  }
0xc8: {  	_ =	sdelay $0x2  }
0xc9: {  	s25 =	sadd.s32 $0x1, s25;
	s24 =	sadd.s32 $0x400, s24  }
0xca: {  	s24 =	simm.s32 $0x0;
	s0 =	rddreg [dreg:$0xb]  }
0xcb: {  	[hbm4b:s0+s24] =	stream.linear.scatter [tilespmem:s12], [sflag:$0x9], $0x4000, $0x38;
	[tilespmem:$0x18000] =	vst v63  }
0xcc: {  	_ =	swait.ge [sflag:s19], $0x4000  }
0xcd: {  	[sflag:s19] =	ssyncset.done $0x0  }
0xce: {  	s31 =	rddreg [dreg:$0xc];
	[sflag:s19] =	ssyncadd.s32 $0xFFFFC000  }
0xcf: {  	[tilespmem:s11], [sflag:$0x4] =	stream.linear.gather [hbm4b:s31+s24], $0x4000, $0x38;
	[tilespmem:$0x18000] =	vst v63  }
0xd0: {  	_ =	swait.ge [sflag:s20], $0x4000  }
0xd1: {  	[sflag:s20] =	ssyncset.done $0x0  }
0xd2: {  	s25 =	simm.s32 $0x0;
	s26 =	simm.s32 $0x0;
	[sflag:s20] =	ssyncadd.s32 $0xFFFFC000  }
.LBB2_14:
0xd3: {  	s0 =	sand.u32 $0x7, s25  }
0xd4: {  	s0 =	sshll.u32 s0, $0x9  }
0xd5: {  	s28 =	sshrl.u32 s0, $0x2  }
0xd6: {  	v0 =	vmov s28;
	_ =	sdelay $0x2  }
0xd7: {  	s0 =	sand.u32 $0x3FFFE000, s24  }
0xd8: {  	s31 =	sor.u32 $0x40, s0  }
0xd9: {  	v1 =	vld.idx.msk [tilespmem:v0+s31+$0x30 ss:$0x1], $0xffff  }
0xda: {  	v2 =	vld.idx.msk [tilespmem:v0+s31+$0xFFFFFFD0 ss:$0x1], $0xffff  }
0xdb: {  	v3 =	vld.idx.msk [tilespmem:v0+s31+$0xFFFFFFE0 ss:$0x1], $0xffff  }
0xdc: {  	v4 =	vld.idx.msk [tilespmem:v0+s31+$0xFFFFFFF0 ss:$0x1], $0xffff  }
0xdd: {  	v5 =	vld.idx.msk [tilespmem:v0+s31+$0x0 ss:$0x1], $0xffff  }
0xde: {  	s29 =	sadd.s32 $0x14000, s0;
	v6 =	vld.idx.msk [tilespmem:v0+s31+$0x10 ss:$0x1], $0xffff  }
0xdf: {  	s0 =	sadd.s32 s28, s29;
	v7 =	vld.idx.msk [tilespmem:v0+s31+$0xFFFFFFC0 ss:$0x1], $0xffff  }
0xe0: {  	[tilespmem:s0+$0x70] =	vst.add.f32.msk $0xffff, v1  }
0xe1: {  	v1 =	vld.idx.msk [tilespmem:v0+s31+$0x20 ss:$0x1], $0xffff  }
0xe2: {  	[tilespmem:s0+$0x10] =	vst.add.f32.msk $0xffff, v2  }
0xe3: {  	[tilespmem:s0+$0x20] =	vst.add.f32.msk $0xffff, v3  }
0xe4: {  	[tilespmem:s0+$0x30] =	vst.add.f32.msk $0xffff, v4  }
0xe5: {  	[tilespmem:s0+$0x40] =	vst.add.f32.msk $0xffff, v5  }
0xe6: {  	[tilespmem:s0+$0x50] =	vst.add.f32.msk $0xffff, v6  }
0xe7: {  	[tilespmem:s0+$0x0] =	vst.add.f32.msk $0xffff, v7  }
0xe8: {  	s30 =	simm.s32 $0x0;
	s31 =	sadd.s32 $0x400, s31;
	[tilespmem:s0+$0x60] =	vst.add.f32.msk $0xffff, v1  }
.LBB2_15:
0xe9: {  	v1 =	vld.idx.msk [tilespmem:v0+s31+$0x30 ss:$0x1], $0xffff;
	s30 =	sadd.s32 $0x80, s30  }
0xea: {  	v2 =	vld.idx.msk [tilespmem:v0+s31+$0xFFFFFFD0 ss:$0x1], $0xffff;
	p0 =	slt.u32 s30, $0x380  }
0xeb: {  	v3 =	vld.idx.msk [tilespmem:v0+s31+$0xFFFFFFE0 ss:$0x1], $0xffff  }
0xec: {  	v4 =	vld.idx.msk [tilespmem:v0+s31+$0xFFFFFFF0 ss:$0x1], $0xffff  }
0xed: {  	s29 =	sadd.s32 $0x400, s29;
	v5 =	vld.idx.msk [tilespmem:v0+s31+$0x0 ss:$0x1], $0xffff  }
0xee: {  	s0 =	sadd.s32 s28, s29;
	v6 =	vld.idx.msk [tilespmem:v0+s31+$0x10 ss:$0x1], $0xffff  }
0xef: {  	[tilespmem:s0+$0x70] =	vst.add.f32.msk $0xffff, v1  }
0xf0: {  	v1 =	vld.idx.msk [tilespmem:v0+s31+$0x20 ss:$0x1], $0xffff  }
0xf1: {  	v7 =	vld.idx.msk [tilespmem:v0+s31+$0xFFFFFFC0 ss:$0x1], $0xffff  }
0xf2: {  	[tilespmem:s0+$0x10] =	vst.add.f32.msk $0xffff, v2  }
0xf3: {  	[tilespmem:s0+$0x20] =	vst.add.f32.msk $0xffff, v3  }
.Ltmp6:
0xf4: {  	[tilespmem:s0+$0x30] =	vst.add.f32.msk $0xffff, v4;
	(pc) =	sbr.rel @p0 .LBB2_15-.Ltmp6, $4  }
0xf5: {  	[tilespmem:s0+$0x40] =	vst.add.f32.msk $0xffff, v5  }
0xf6: {  	[tilespmem:s0+$0x50] =	vst.add.f32.msk $0xffff, v6  }
0xf7: {  	[tilespmem:s0+$0x0] =	vst.add.f32.msk $0xffff, v7  }
0xf8: {  	s31 =	sadd.s32 $0x400, s31;
	[tilespmem:s0+$0x60] =	vst.add.f32.msk $0xffff, v1  }
0xf9: {  	s26 =	sadd.s32 $0x1, s26  }
0xfa: {  	p0 =	sne.s32 s26, $0x10  }
.Ltmp7:
0xfb: {  	_ = 	snop;
	(pc) =	sbr.rel @p0 .LBB2_14-.Ltmp7, $2  }
0xfc: {  	_ =	sdelay $0x2  }
0xfd: {  	s25 =	sadd.s32 $0x1, s25;
	s24 =	sadd.s32 $0x400, s24  }
0xfe: {  	s24 =	simm.s32 $0x0;
	s0 =	rddreg [dreg:$0xd]  }
0xff: {  	[hbm4b:s0+s24] =	stream.linear.scatter [tilespmem:s15], [sflag:$0xA], $0x4000, $0x38;
	[tilespmem:$0x18000] =	vst v63  }
0x100: {  	s30 =	rddreg [dreg:$0xe]  }
0x101: {  	[tilespmem:s24], [sflag:$0x1] =	stream.linear.gather [hbm4b:s30+s24], $0x4000, $0x38;
	[tilespmem:$0x18000] =	vst v63  }
0x102: {  	_ =	swait.ge [sflag:s21], $0x4000  }
0x103: {  	[sflag:s21] =	ssyncset.done $0x0  }
0x104: {  	s31 =	rddreg [dreg:$0xf];
	[sflag:s21] =	ssyncadd.s32 $0xFFFFC000  }
0x105: {  	[tilespmem:s12], [sflag:$0x5] =	stream.linear.gather [hbm4b:s31+s24], $0x4000, $0x38;
	[tilespmem:$0x18000] =	vst v63  }
0x106: {  	_ =	swait.ge [sflag:s13], $0x4000  }
0x107: {  	[sflag:s13] =	ssyncset.done $0x0  }
0x108: {  	[sflag:s13] =	ssyncadd.s32 $0xFFFFC000  }
0x109: {  	_ =	swait.ge [sflag:s22], $0x4000  }
0x10a: {  	[sflag:s22] =	ssyncset.done $0x0  }
0x10b: {  	s25 =	simm.s32 $0x0;
	s26 =	simm.s32 $0x0;
	[sflag:s22] =	ssyncadd.s32 $0xFFFFC000  }
.LBB2_18:
0x10c: {  	s0 =	sand.u32 $0x7, s25  }
0x10d: {  	s0 =	sshll.u32 s0, $0x9  }
0x10e: {  	s28 =	sshrl.u32 s0, $0x2  }
0x10f: {  	v0 =	vmov s28;
	_ =	sdelay $0x2  }
0x110: {  	s0 =	sand.u32 $0x3FFFE000, s24  }
0x111: {  	s31 =	sadd.s32 $0x4040, s0  }
0x112: {  	v1 =	vld.idx.msk [tilespmem:v0+s31+$0x30 ss:$0x1], $0xffff  }
0x113: {  	v2 =	vld.idx.msk [tilespmem:v0+s31+$0xFFFFFFD0 ss:$0x1], $0xffff  }
0x114: {  	v3 =	vld.idx.msk [tilespmem:v0+s31+$0xFFFFFFE0 ss:$0x1], $0xffff  }
0x115: {  	v4 =	vld.idx.msk [tilespmem:v0+s31+$0xFFFFFFF0 ss:$0x1], $0xffff  }
0x116: {  	v5 =	vld.idx.msk [tilespmem:v0+s31+$0x0 ss:$0x1], $0xffff  }
0x117: {  	s29 =	sadd.s32 $0x8000, s0;
	v6 =	vld.idx.msk [tilespmem:v0+s31+$0x10 ss:$0x1], $0xffff  }
0x118: {  	s0 =	sadd.s32 s28, s29;
	v7 =	vld.idx.msk [tilespmem:v0+s31+$0xFFFFFFC0 ss:$0x1], $0xffff  }
0x119: {  	[tilespmem:s0+$0x70] =	vst.add.f32.msk $0xffff, v1  }
0x11a: {  	v1 =	vld.idx.msk [tilespmem:v0+s31+$0x20 ss:$0x1], $0xffff  }
0x11b: {  	[tilespmem:s0+$0x10] =	vst.add.f32.msk $0xffff, v2  }
0x11c: {  	[tilespmem:s0+$0x20] =	vst.add.f32.msk $0xffff, v3  }
0x11d: {  	[tilespmem:s0+$0x30] =	vst.add.f32.msk $0xffff, v4  }
0x11e: {  	[tilespmem:s0+$0x40] =	vst.add.f32.msk $0xffff, v5  }
0x11f: {  	[tilespmem:s0+$0x50] =	vst.add.f32.msk $0xffff, v6  }
0x120: {  	[tilespmem:s0+$0x0] =	vst.add.f32.msk $0xffff, v7  }
0x121: {  	s30 =	simm.s32 $0x0;
	s31 =	sadd.s32 $0x400, s31;
	[tilespmem:s0+$0x60] =	vst.add.f32.msk $0xffff, v1  }
.LBB2_19:
0x122: {  	v1 =	vld.idx.msk [tilespmem:v0+s31+$0x30 ss:$0x1], $0xffff;
	s30 =	sadd.s32 $0x80, s30  }
0x123: {  	v2 =	vld.idx.msk [tilespmem:v0+s31+$0xFFFFFFD0 ss:$0x1], $0xffff;
	p0 =	slt.u32 s30, $0x380  }
0x124: {  	v3 =	vld.idx.msk [tilespmem:v0+s31+$0xFFFFFFE0 ss:$0x1], $0xffff  }
0x125: {  	v4 =	vld.idx.msk [tilespmem:v0+s31+$0xFFFFFFF0 ss:$0x1], $0xffff  }
0x126: {  	s29 =	sadd.s32 $0x400, s29;
	v5 =	vld.idx.msk [tilespmem:v0+s31+$0x0 ss:$0x1], $0xffff  }
0x127: {  	s0 =	sadd.s32 s28, s29;
	v6 =	vld.idx.msk [tilespmem:v0+s31+$0x10 ss:$0x1], $0xffff  }
0x128: {  	[tilespmem:s0+$0x70] =	vst.add.f32.msk $0xffff, v1  }
0x129: {  	v1 =	vld.idx.msk [tilespmem:v0+s31+$0x20 ss:$0x1], $0xffff  }
0x12a: {  	v7 =	vld.idx.msk [tilespmem:v0+s31+$0xFFFFFFC0 ss:$0x1], $0xffff  }
0x12b: {  	[tilespmem:s0+$0x10] =	vst.add.f32.msk $0xffff, v2  }
0x12c: {  	[tilespmem:s0+$0x20] =	vst.add.f32.msk $0xffff, v3  }
.Ltmp8:
0x12d: {  	[tilespmem:s0+$0x30] =	vst.add.f32.msk $0xffff, v4;
	(pc) =	sbr.rel @p0 .LBB2_19-.Ltmp8, $4  }
0x12e: {  	[tilespmem:s0+$0x40] =	vst.add.f32.msk $0xffff, v5  }
0x12f: {  	[tilespmem:s0+$0x50] =	vst.add.f32.msk $0xffff, v6  }
0x130: {  	[tilespmem:s0+$0x0] =	vst.add.f32.msk $0xffff, v7  }
0x131: {  	s31 =	sadd.s32 $0x400, s31;
	[tilespmem:s0+$0x60] =	vst.add.f32.msk $0xffff, v1  }
0x132: {  	s26 =	sadd.s32 $0x1, s26  }
0x133: {  	p0 =	sne.s32 s26, $0x10  }
.Ltmp9:
0x134: {  	_ = 	snop;
	(pc) =	sbr.rel @p0 .LBB2_18-.Ltmp9, $2  }
0x135: {  	_ =	sdelay $0x2  }
0x136: {  	s25 =	sadd.s32 $0x1, s25;
	s24 =	sadd.s32 $0x400, s24  }
0x137: {  	s24 =	simm.s32 $0x0;
	s0 =	rddreg [dreg:$0x10]  }
0x138: {  	[hbm4b:s0+s24] =	stream.linear.scatter [tilespmem:s10], [sflag:$0x7], $0x4000, $0x38;
	[tilespmem:$0x18000] =	vst v63  }
0x139: {  	_ =	swait.ge [sflag:s23], $0x4000  }
0x13a: {  	[sflag:s23] =	ssyncset.done $0x0  }
0x13b: {  	s31 =	rddreg [dreg:$0x11];
	[sflag:s23] =	ssyncadd.s32 $0xFFFFC000  }
0x13c: {  	[tilespmem:s15], [sflag:$0x6] =	stream.linear.gather [hbm4b:s31+s24], $0x4000, $0x38;
	[tilespmem:$0x18000] =	vst v63  }
0x13d: {  	_ =	swait.ge [sflag:s16], $0x4000  }
0x13e: {  	[sflag:s16] =	ssyncset.done $0x0  }
0x13f: {  	s25 =	simm.s32 $0x0;
	s26 =	simm.s32 $0x0;
	[sflag:s16] =	ssyncadd.s32 $0xFFFFC000  }
.LBB2_22:
0x140: {  	s0 =	sand.u32 $0x7, s25  }
0x141: {  	s0 =	sshll.u32 s0, $0x9  }
0x142: {  	s28 =	sshrl.u32 s0, $0x2  }
0x143: {  	v0 =	vmov s28;
	_ =	sdelay $0x2  }
0x144: {  	s0 =	sand.u32 $0x3FFFE000, s24  }
0x145: {  	s31 =	sadd.s32 $0x4040, s0  }
0x146: {  	v1 =	vld.idx.msk [tilespmem:v0+s31+$0x30 ss:$0x1], $0xffff  }
0x147: {  	v2 =	vld.idx.msk [tilespmem:v0+s31+$0xFFFFFFD0 ss:$0x1], $0xffff  }
0x148: {  	v3 =	vld.idx.msk [tilespmem:v0+s31+$0xFFFFFFE0 ss:$0x1], $0xffff  }
0x149: {  	v4 =	vld.idx.msk [tilespmem:v0+s31+$0xFFFFFFF0 ss:$0x1], $0xffff  }
0x14a: {  	v5 =	vld.idx.msk [tilespmem:v0+s31+$0x0 ss:$0x1], $0xffff  }
0x14b: {  	s29 =	sadd.s32 $0xC000, s0;
	v6 =	vld.idx.msk [tilespmem:v0+s31+$0x10 ss:$0x1], $0xffff  }
0x14c: {  	s0 =	sadd.s32 s28, s29;
	v7 =	vld.idx.msk [tilespmem:v0+s31+$0xFFFFFFC0 ss:$0x1], $0xffff  }
0x14d: {  	[tilespmem:s0+$0x70] =	vst.add.f32.msk $0xffff, v1  }
0x14e: {  	v1 =	vld.idx.msk [tilespmem:v0+s31+$0x20 ss:$0x1], $0xffff  }
0x14f: {  	[tilespmem:s0+$0x10] =	vst.add.f32.msk $0xffff, v2  }
0x150: {  	[tilespmem:s0+$0x20] =	vst.add.f32.msk $0xffff, v3  }
0x151: {  	[tilespmem:s0+$0x30] =	vst.add.f32.msk $0xffff, v4  }
0x152: {  	[tilespmem:s0+$0x40] =	vst.add.f32.msk $0xffff, v5  }
0x153: {  	[tilespmem:s0+$0x50] =	vst.add.f32.msk $0xffff, v6  }
0x154: {  	[tilespmem:s0+$0x0] =	vst.add.f32.msk $0xffff, v7  }
0x155: {  	s30 =	simm.s32 $0x0;
	s31 =	sadd.s32 $0x400, s31;
	[tilespmem:s0+$0x60] =	vst.add.f32.msk $0xffff, v1  }
.LBB2_23:
0x156: {  	v1 =	vld.idx.msk [tilespmem:v0+s31+$0x30 ss:$0x1], $0xffff;
	s30 =	sadd.s32 $0x80, s30  }
0x157: {  	v2 =	vld.idx.msk [tilespmem:v0+s31+$0xFFFFFFD0 ss:$0x1], $0xffff;
	p0 =	slt.u32 s30, $0x380  }
0x158: {  	v3 =	vld.idx.msk [tilespmem:v0+s31+$0xFFFFFFE0 ss:$0x1], $0xffff  }
0x159: {  	v4 =	vld.idx.msk [tilespmem:v0+s31+$0xFFFFFFF0 ss:$0x1], $0xffff  }
0x15a: {  	s29 =	sadd.s32 $0x400, s29;
	v5 =	vld.idx.msk [tilespmem:v0+s31+$0x0 ss:$0x1], $0xffff  }
0x15b: {  	s0 =	sadd.s32 s28, s29;
	v6 =	vld.idx.msk [tilespmem:v0+s31+$0x10 ss:$0x1], $0xffff  }
0x15c: {  	[tilespmem:s0+$0x70] =	vst.add.f32.msk $0xffff, v1  }
0x15d: {  	v1 =	vld.idx.msk [tilespmem:v0+s31+$0x20 ss:$0x1], $0xffff  }
0x15e: {  	v7 =	vld.idx.msk [tilespmem:v0+s31+$0xFFFFFFC0 ss:$0x1], $0xffff  }
0x15f: {  	[tilespmem:s0+$0x10] =	vst.add.f32.msk $0xffff, v2  }
0x160: {  	[tilespmem:s0+$0x20] =	vst.add.f32.msk $0xffff, v3  }
.Ltmp10:
0x161: {  	[tilespmem:s0+$0x30] =	vst.add.f32.msk $0xffff, v4;
	(pc) =	sbr.rel @p0 .LBB2_23-.Ltmp10, $4  }
0x162: {  	[tilespmem:s0+$0x40] =	vst.add.f32.msk $0xffff, v5  }
0x163: {  	[tilespmem:s0+$0x50] =	vst.add.f32.msk $0xffff, v6  }
0x164: {  	[tilespmem:s0+$0x0] =	vst.add.f32.msk $0xffff, v7  }
0x165: {  	s31 =	sadd.s32 $0x400, s31;
	[tilespmem:s0+$0x60] =	vst.add.f32.msk $0xffff, v1  }
0x166: {  	s26 =	sadd.s32 $0x1, s26  }
0x167: {  	p0 =	sne.s32 s26, $0x10  }
.Ltmp11:
0x168: {  	_ = 	snop;
	(pc) =	sbr.rel @p0 .LBB2_22-.Ltmp11, $2  }
0x169: {  	_ =	sdelay $0x2  }
0x16a: {  	s25 =	sadd.s32 $0x1, s25;
	s24 =	sadd.s32 $0x400, s24  }
0x16b: {  	s24 =	simm.s32 $0x0;
	s0 =	rddreg [dreg:$0x12]  }
0x16c: {  	[hbm4b:s0+s24] =	stream.linear.scatter [tilespmem:s11], [sflag:$0x8], $0x4000, $0x38;
	[tilespmem:$0x18000] =	vst v63  }
0x16d: {  	_ =	swait.ge [sflag:s17], $0x4000  }
0x16e: {  	[sflag:s17] =	ssyncset.done $0x0  }
0x16f: {  	s31 =	rddreg [dreg:$0x16];
	[sflag:s17] =	ssyncadd.s32 $0xFFFFC000  }
0x170: {  	[tilespmem:s10], [sflag:$0x3] =	stream.linear.gather [hbm4b:s31+s24], $0x4000, $0x38;
	[tilespmem:$0x18000] =	vst v63  }
0x171: {  	_ =	swait.ge [sflag:s18], $0x4000  }
0x172: {  	[sflag:s18] =	ssyncset.done $0x0  }
0x173: {  	s25 =	simm.s32 $0x0;
	s26 =	simm.s32 $0x0;
	[sflag:s18] =	ssyncadd.s32 $0xFFFFC000  }
.LBB2_26:
0x174: {  	s0 =	sand.u32 $0x7, s25  }
0x175: {  	s0 =	sshll.u32 s0, $0x9  }
0x176: {  	s28 =	sshrl.u32 s0, $0x2  }
0x177: {  	v0 =	vmov s28;
	_ =	sdelay $0x2  }
0x178: {  	s0 =	sand.u32 $0x3FFFE000, s24  }
0x179: {  	s31 =	sadd.s32 $0x4040, s0  }
0x17a: {  	v1 =	vld.idx.msk [tilespmem:v0+s31+$0x30 ss:$0x1], $0xffff  }
0x17b: {  	v2 =	vld.idx.msk [tilespmem:v0+s31+$0xFFFFFFD0 ss:$0x1], $0xffff  }
0x17c: {  	v3 =	vld.idx.msk [tilespmem:v0+s31+$0xFFFFFFE0 ss:$0x1], $0xffff  }
0x17d: {  	v4 =	vld.idx.msk [tilespmem:v0+s31+$0xFFFFFFF0 ss:$0x1], $0xffff  }
0x17e: {  	v5 =	vld.idx.msk [tilespmem:v0+s31+$0x0 ss:$0x1], $0xffff  }
0x17f: {  	s29 =	sadd.s32 $0x10000, s0;
	v6 =	vld.idx.msk [tilespmem:v0+s31+$0x10 ss:$0x1], $0xffff  }
0x180: {  	s0 =	sadd.s32 s28, s29;
	v7 =	vld.idx.msk [tilespmem:v0+s31+$0xFFFFFFC0 ss:$0x1], $0xffff  }
0x181: {  	[tilespmem:s0+$0x70] =	vst.add.f32.msk $0xffff, v1  }
0x182: {  	v1 =	vld.idx.msk [tilespmem:v0+s31+$0x20 ss:$0x1], $0xffff  }
0x183: {  	[tilespmem:s0+$0x10] =	vst.add.f32.msk $0xffff, v2  }
0x184: {  	[tilespmem:s0+$0x20] =	vst.add.f32.msk $0xffff, v3  }
0x185: {  	[tilespmem:s0+$0x30] =	vst.add.f32.msk $0xffff, v4  }
0x186: {  	[tilespmem:s0+$0x40] =	vst.add.f32.msk $0xffff, v5  }
0x187: {  	[tilespmem:s0+$0x50] =	vst.add.f32.msk $0xffff, v6  }
0x188: {  	[tilespmem:s0+$0x0] =	vst.add.f32.msk $0xffff, v7  }
0x189: {  	s30 =	simm.s32 $0x0;
	s31 =	sadd.s32 $0x400, s31;
	[tilespmem:s0+$0x60] =	vst.add.f32.msk $0xffff, v1  }
.LBB2_27:
0x18a: {  	v1 =	vld.idx.msk [tilespmem:v0+s31+$0x30 ss:$0x1], $0xffff;
	s30 =	sadd.s32 $0x80, s30  }
0x18b: {  	v2 =	vld.idx.msk [tilespmem:v0+s31+$0xFFFFFFD0 ss:$0x1], $0xffff;
	p0 =	slt.u32 s30, $0x380  }
0x18c: {  	v3 =	vld.idx.msk [tilespmem:v0+s31+$0xFFFFFFE0 ss:$0x1], $0xffff  }
0x18d: {  	v4 =	vld.idx.msk [tilespmem:v0+s31+$0xFFFFFFF0 ss:$0x1], $0xffff  }
0x18e: {  	s29 =	sadd.s32 $0x400, s29;
	v5 =	vld.idx.msk [tilespmem:v0+s31+$0x0 ss:$0x1], $0xffff  }
0x18f: {  	s0 =	sadd.s32 s28, s29;
	v6 =	vld.idx.msk [tilespmem:v0+s31+$0x10 ss:$0x1], $0xffff  }
0x190: {  	[tilespmem:s0+$0x70] =	vst.add.f32.msk $0xffff, v1  }
0x191: {  	v1 =	vld.idx.msk [tilespmem:v0+s31+$0x20 ss:$0x1], $0xffff  }
0x192: {  	v7 =	vld.idx.msk [tilespmem:v0+s31+$0xFFFFFFC0 ss:$0x1], $0xffff  }
0x193: {  	[tilespmem:s0+$0x10] =	vst.add.f32.msk $0xffff, v2  }
0x194: {  	[tilespmem:s0+$0x20] =	vst.add.f32.msk $0xffff, v3  }
.Ltmp12:
0x195: {  	[tilespmem:s0+$0x30] =	vst.add.f32.msk $0xffff, v4;
	(pc) =	sbr.rel @p0 .LBB2_27-.Ltmp12, $4  }
0x196: {  	[tilespmem:s0+$0x40] =	vst.add.f32.msk $0xffff, v5  }
0x197: {  	[tilespmem:s0+$0x50] =	vst.add.f32.msk $0xffff, v6  }
0x198: {  	[tilespmem:s0+$0x0] =	vst.add.f32.msk $0xffff, v7  }
0x199: {  	s31 =	sadd.s32 $0x400, s31;
	[tilespmem:s0+$0x60] =	vst.add.f32.msk $0xffff, v1  }
0x19a: {  	s26 =	sadd.s32 $0x1, s26  }
0x19b: {  	p0 =	sne.s32 s26, $0x10  }
.Ltmp13:
0x19c: {  	_ = 	snop;
	(pc) =	sbr.rel @p0 .LBB2_26-.Ltmp13, $2  }
0x19d: {  	_ =	sdelay $0x2  }
0x19e: {  	s25 =	sadd.s32 $0x1, s25;
	s24 =	sadd.s32 $0x400, s24  }
0x19f: {  	s24 =	simm.s32 $0x0;
	s0 =	rddreg [dreg:$0x13]  }
0x1a0: {  	[hbm4b:s0+s24] =	stream.linear.scatter [tilespmem:s12], [sflag:$0x9], $0x4000, $0x38;
	[tilespmem:$0x18000] =	vst v63  }
0x1a1: {  	_ =	swait.ge [sflag:s19], $0x4000  }
0x1a2: {  	[sflag:s19] =	ssyncset.done $0x0  }
0x1a3: {  	s31 =	rddreg [dreg:$0x18];
	[sflag:s19] =	ssyncadd.s32 $0xFFFFC000  }
0x1a4: {  	[tilespmem:s11], [sflag:$0x4] =	stream.linear.gather [hbm4b:s31+s24], $0x4000, $0x38;
	[tilespmem:$0x18000] =	vst v63  }
0x1a5: {  	_ =	swait.ge [sflag:s20], $0x4000  }
0x1a6: {  	[sflag:s20] =	ssyncset.done $0x0  }
0x1a7: {  	s25 =	simm.s32 $0x0;
	s26 =	simm.s32 $0x0;
	[sflag:s20] =	ssyncadd.s32 $0xFFFFC000  }
.LBB2_30:
0x1a8: {  	s0 =	sand.u32 $0x7, s25  }
0x1a9: {  	s0 =	sshll.u32 s0, $0x9  }
0x1aa: {  	s28 =	sshrl.u32 s0, $0x2  }
0x1ab: {  	v0 =	vmov s28;
	_ =	sdelay $0x2  }
0x1ac: {  	s0 =	sand.u32 $0x3FFFE000, s24  }
0x1ad: {  	s31 =	sadd.s32 $0x4040, s0  }
0x1ae: {  	v1 =	vld.idx.msk [tilespmem:v0+s31+$0x30 ss:$0x1], $0xffff  }
0x1af: {  	v2 =	vld.idx.msk [tilespmem:v0+s31+$0xFFFFFFD0 ss:$0x1], $0xffff  }
0x1b0: {  	v3 =	vld.idx.msk [tilespmem:v0+s31+$0xFFFFFFE0 ss:$0x1], $0xffff  }
0x1b1: {  	v4 =	vld.idx.msk [tilespmem:v0+s31+$0xFFFFFFF0 ss:$0x1], $0xffff  }
0x1b2: {  	v5 =	vld.idx.msk [tilespmem:v0+s31+$0x0 ss:$0x1], $0xffff  }
0x1b3: {  	s29 =	sadd.s32 $0x14000, s0;
	v6 =	vld.idx.msk [tilespmem:v0+s31+$0x10 ss:$0x1], $0xffff  }
0x1b4: {  	s0 =	sadd.s32 s28, s29;
	v7 =	vld.idx.msk [tilespmem:v0+s31+$0xFFFFFFC0 ss:$0x1], $0xffff  }
0x1b5: {  	[tilespmem:s0+$0x70] =	vst.add.f32.msk $0xffff, v1  }
0x1b6: {  	v1 =	vld.idx.msk [tilespmem:v0+s31+$0x20 ss:$0x1], $0xffff  }
0x1b7: {  	[tilespmem:s0+$0x10] =	vst.add.f32.msk $0xffff, v2  }
0x1b8: {  	[tilespmem:s0+$0x20] =	vst.add.f32.msk $0xffff, v3  }
0x1b9: {  	[tilespmem:s0+$0x30] =	vst.add.f32.msk $0xffff, v4  }
0x1ba: {  	[tilespmem:s0+$0x40] =	vst.add.f32.msk $0xffff, v5  }
0x1bb: {  	[tilespmem:s0+$0x50] =	vst.add.f32.msk $0xffff, v6  }
0x1bc: {  	[tilespmem:s0+$0x0] =	vst.add.f32.msk $0xffff, v7  }
0x1bd: {  	s30 =	simm.s32 $0x0;
	s31 =	sadd.s32 $0x400, s31;
	[tilespmem:s0+$0x60] =	vst.add.f32.msk $0xffff, v1  }
.LBB2_31:
0x1be: {  	v1 =	vld.idx.msk [tilespmem:v0+s31+$0x30 ss:$0x1], $0xffff;
	s30 =	sadd.s32 $0x80, s30  }
0x1bf: {  	v2 =	vld.idx.msk [tilespmem:v0+s31+$0xFFFFFFD0 ss:$0x1], $0xffff;
	p0 =	slt.u32 s30, $0x380  }
0x1c0: {  	v3 =	vld.idx.msk [tilespmem:v0+s31+$0xFFFFFFE0 ss:$0x1], $0xffff  }
0x1c1: {  	v4 =	vld.idx.msk [tilespmem:v0+s31+$0xFFFFFFF0 ss:$0x1], $0xffff  }
0x1c2: {  	s29 =	sadd.s32 $0x400, s29;
	v5 =	vld.idx.msk [tilespmem:v0+s31+$0x0 ss:$0x1], $0xffff  }
0x1c3: {  	s0 =	sadd.s32 s28, s29;
	v6 =	vld.idx.msk [tilespmem:v0+s31+$0x10 ss:$0x1], $0xffff  }
0x1c4: {  	[tilespmem:s0+$0x70] =	vst.add.f32.msk $0xffff, v1  }
0x1c5: {  	v1 =	vld.idx.msk [tilespmem:v0+s31+$0x20 ss:$0x1], $0xffff  }
0x1c6: {  	v7 =	vld.idx.msk [tilespmem:v0+s31+$0xFFFFFFC0 ss:$0x1], $0xffff  }
0x1c7: {  	[tilespmem:s0+$0x10] =	vst.add.f32.msk $0xffff, v2  }
0x1c8: {  	[tilespmem:s0+$0x20] =	vst.add.f32.msk $0xffff, v3  }
.Ltmp14:
0x1c9: {  	[tilespmem:s0+$0x30] =	vst.add.f32.msk $0xffff, v4;
	(pc) =	sbr.rel @p0 .LBB2_31-.Ltmp14, $4  }
0x1ca: {  	[tilespmem:s0+$0x40] =	vst.add.f32.msk $0xffff, v5  }
0x1cb: {  	[tilespmem:s0+$0x50] =	vst.add.f32.msk $0xffff, v6  }
0x1cc: {  	[tilespmem:s0+$0x0] =	vst.add.f32.msk $0xffff, v7  }
0x1cd: {  	s31 =	sadd.s32 $0x400, s31;
	[tilespmem:s0+$0x60] =	vst.add.f32.msk $0xffff, v1  }
0x1ce: {  	s26 =	sadd.s32 $0x1, s26  }
0x1cf: {  	p0 =	sne.s32 s26, $0x10  }
.Ltmp15:
0x1d0: {  	_ = 	snop;
	(pc) =	sbr.rel @p0 .LBB2_30-.Ltmp15, $2  }
0x1d1: {  	_ =	sdelay $0x2  }
0x1d2: {  	s25 =	sadd.s32 $0x1, s25;
	s24 =	sadd.s32 $0x400, s24  }
0x1d3: {  	s24 =	simm.s32 $0x0;
	s0 =	rddreg [dreg:$0x14]  }
0x1d4: {  	[hbm4b:s0+s24] =	stream.linear.scatter [tilespmem:s15], [sflag:$0xA], $0x4000, $0x38;
	[tilespmem:$0x18000] =	vst v63  }
0x1d5: {  	s30 =	rddreg [dreg:$0x15];
	s25 =	simm.s32 $0x4000  }
0x1d6: {  	[tilespmem:s25], [sflag:$0x2] =	stream.linear.gather [hbm4b:s30+s24], $0x4000, $0x38;
	[tilespmem:$0x18000] =	vst v63  }
0x1d7: {  	_ =	swait.ge [sflag:s21], $0x4000  }
0x1d8: {  	[sflag:s21] =	ssyncset.done $0x0  }
0x1d9: {  	s31 =	rddreg [dreg:$0x1a];
	[sflag:s21] =	ssyncadd.s32 $0xFFFFC000  }
0x1da: {  	[tilespmem:s12], [sflag:$0x5] =	stream.linear.gather [hbm4b:s31+s24], $0x4000, $0x38;
	[tilespmem:$0x18000] =	vst v63  }
0x1db: {  	_ =	swait.ge [sflag:s13], $0x4000  }
0x1dc: {  	[sflag:s13] =	ssyncset.done $0x0  }
0x1dd: {  	[sflag:s13] =	ssyncadd.s32 $0xFFFFC000  }
0x1de: {  	_ =	swait.ge [sflag:s14], $0x4000  }
0x1df: {  	[sflag:s14] =	ssyncset.done $0x0  }
0x1e0: {  	s26 =	simm.s32 $0x0;
	s25 =	simm.s32 $0x0;
	[sflag:s14] =	ssyncadd.s32 $0xFFFFC000  }
.LBB2_34:
0x1e1: {  	s0 =	sand.u32 $0x7, s25  }
0x1e2: {  	s0 =	sshll.u32 s0, $0x9  }
0x1e3: {  	s28 =	sshrl.u32 s0, $0x2  }
0x1e4: {  	v0 =	vmov s28;
	_ =	sdelay $0x2  }
0x1e5: {  	s0 =	sand.u32 $0x3FFFE000, s24  }
0x1e6: {  	s31 =	sor.u32 $0x40, s0  }
0x1e7: {  	v1 =	vld.idx.msk [tilespmem:v0+s31+$0x30 ss:$0x1], $0xffff  }
0x1e8: {  	v2 =	vld.idx.msk [tilespmem:v0+s31+$0xFFFFFFD0 ss:$0x1], $0xffff  }
0x1e9: {  	v3 =	vld.idx.msk [tilespmem:v0+s31+$0xFFFFFFE0 ss:$0x1], $0xffff  }
0x1ea: {  	v4 =	vld.idx.msk [tilespmem:v0+s31+$0xFFFFFFF0 ss:$0x1], $0xffff  }
0x1eb: {  	v5 =	vld.idx.msk [tilespmem:v0+s31+$0x0 ss:$0x1], $0xffff  }
0x1ec: {  	s29 =	sadd.s32 $0x8000, s0;
	v6 =	vld.idx.msk [tilespmem:v0+s31+$0x10 ss:$0x1], $0xffff  }
0x1ed: {  	s0 =	sadd.s32 s28, s29;
	v7 =	vld.idx.msk [tilespmem:v0+s31+$0xFFFFFFC0 ss:$0x1], $0xffff  }
0x1ee: {  	[tilespmem:s0+$0x70] =	vst.add.f32.msk $0xffff, v1  }
0x1ef: {  	v1 =	vld.idx.msk [tilespmem:v0+s31+$0x20 ss:$0x1], $0xffff  }
0x1f0: {  	[tilespmem:s0+$0x10] =	vst.add.f32.msk $0xffff, v2  }
0x1f1: {  	[tilespmem:s0+$0x20] =	vst.add.f32.msk $0xffff, v3  }
0x1f2: {  	[tilespmem:s0+$0x30] =	vst.add.f32.msk $0xffff, v4  }
0x1f3: {  	[tilespmem:s0+$0x40] =	vst.add.f32.msk $0xffff, v5  }
0x1f4: {  	[tilespmem:s0+$0x50] =	vst.add.f32.msk $0xffff, v6  }
0x1f5: {  	[tilespmem:s0+$0x0] =	vst.add.f32.msk $0xffff, v7  }
0x1f6: {  	s30 =	simm.s32 $0x0;
	s31 =	sadd.s32 $0x400, s31;
	[tilespmem:s0+$0x60] =	vst.add.f32.msk $0xffff, v1  }
.LBB2_35:
0x1f7: {  	v1 =	vld.idx.msk [tilespmem:v0+s31+$0x30 ss:$0x1], $0xffff;
	s30 =	sadd.s32 $0x80, s30  }
0x1f8: {  	v2 =	vld.idx.msk [tilespmem:v0+s31+$0xFFFFFFD0 ss:$0x1], $0xffff;
	p0 =	slt.u32 s30, $0x380  }
0x1f9: {  	v3 =	vld.idx.msk [tilespmem:v0+s31+$0xFFFFFFE0 ss:$0x1], $0xffff  }
0x1fa: {  	v4 =	vld.idx.msk [tilespmem:v0+s31+$0xFFFFFFF0 ss:$0x1], $0xffff  }
0x1fb: {  	s29 =	sadd.s32 $0x400, s29;
	v5 =	vld.idx.msk [tilespmem:v0+s31+$0x0 ss:$0x1], $0xffff  }
0x1fc: {  	s0 =	sadd.s32 s28, s29;
	v6 =	vld.idx.msk [tilespmem:v0+s31+$0x10 ss:$0x1], $0xffff  }
0x1fd: {  	[tilespmem:s0+$0x70] =	vst.add.f32.msk $0xffff, v1  }
0x1fe: {  	v1 =	vld.idx.msk [tilespmem:v0+s31+$0x20 ss:$0x1], $0xffff  }
0x1ff: {  	v7 =	vld.idx.msk [tilespmem:v0+s31+$0xFFFFFFC0 ss:$0x1], $0xffff  }
0x200: {  	[tilespmem:s0+$0x10] =	vst.add.f32.msk $0xffff, v2  }
0x201: {  	[tilespmem:s0+$0x20] =	vst.add.f32.msk $0xffff, v3  }
.Ltmp16:
0x202: {  	[tilespmem:s0+$0x30] =	vst.add.f32.msk $0xffff, v4;
	(pc) =	sbr.rel @p0 .LBB2_35-.Ltmp16, $4  }
0x203: {  	[tilespmem:s0+$0x40] =	vst.add.f32.msk $0xffff, v5  }
0x204: {  	[tilespmem:s0+$0x50] =	vst.add.f32.msk $0xffff, v6  }
0x205: {  	[tilespmem:s0+$0x0] =	vst.add.f32.msk $0xffff, v7  }
0x206: {  	s31 =	sadd.s32 $0x400, s31;
	[tilespmem:s0+$0x60] =	vst.add.f32.msk $0xffff, v1  }
0x207: {  	s26 =	sadd.s32 $0x1, s26  }
0x208: {  	p0 =	sne.s32 s26, $0x10  }
.Ltmp17:
0x209: {  	_ = 	snop;
	(pc) =	sbr.rel @p0 .LBB2_34-.Ltmp17, $2  }
0x20a: {  	_ =	sdelay $0x2  }
0x20b: {  	s25 =	sadd.s32 $0x1, s25;
	s24 =	sadd.s32 $0x400, s24  }
0x20c: {  	s24 =	simm.s32 $0x0;
	s0 =	rddreg [dreg:$0x17]  }
0x20d: {  	[hbm4b:s0+s24] =	stream.linear.scatter [tilespmem:s10], [sflag:$0x7], $0x4000, $0x38;
	[tilespmem:$0x18000] =	vst v63  }
0x20e: {  	_ =	swait.ge [sflag:s23], $0x4000  }
0x20f: {  	[sflag:s23] =	ssyncset.done $0x0  }
0x210: {  	s31 =	rddreg [dreg:$0x1c];
	[sflag:s23] =	ssyncadd.s32 $0xFFFFC000  }
0x211: {  	[tilespmem:s15], [sflag:$0x6] =	stream.linear.gather [hbm4b:s31+s24], $0x4000, $0x38;
	[tilespmem:$0x18000] =	vst v63  }
0x212: {  	_ =	swait.ge [sflag:s16], $0x4000  }
0x213: {  	[sflag:s16] =	ssyncset.done $0x0  }
0x214: {  	s25 =	simm.s32 $0x0;
	s26 =	simm.s32 $0x0;
	[sflag:s16] =	ssyncadd.s32 $0xFFFFC000  }
.LBB2_38:
0x215: {  	s0 =	sand.u32 $0x7, s25  }
0x216: {  	s0 =	sshll.u32 s0, $0x9  }
0x217: {  	s28 =	sshrl.u32 s0, $0x2  }
0x218: {  	v0 =	vmov s28;
	_ =	sdelay $0x2  }
0x219: {  	s0 =	sand.u32 $0x3FFFE000, s24  }
0x21a: {  	s31 =	sor.u32 $0x40, s0  }
0x21b: {  	v1 =	vld.idx.msk [tilespmem:v0+s31+$0x30 ss:$0x1], $0xffff  }
0x21c: {  	v2 =	vld.idx.msk [tilespmem:v0+s31+$0xFFFFFFD0 ss:$0x1], $0xffff  }
0x21d: {  	v3 =	vld.idx.msk [tilespmem:v0+s31+$0xFFFFFFE0 ss:$0x1], $0xffff  }
0x21e: {  	v4 =	vld.idx.msk [tilespmem:v0+s31+$0xFFFFFFF0 ss:$0x1], $0xffff  }
0x21f: {  	v5 =	vld.idx.msk [tilespmem:v0+s31+$0x0 ss:$0x1], $0xffff  }
0x220: {  	s29 =	sadd.s32 $0xC000, s0;
	v6 =	vld.idx.msk [tilespmem:v0+s31+$0x10 ss:$0x1], $0xffff  }
0x221: {  	s0 =	sadd.s32 s28, s29;
	v7 =	vld.idx.msk [tilespmem:v0+s31+$0xFFFFFFC0 ss:$0x1], $0xffff  }
0x222: {  	[tilespmem:s0+$0x70] =	vst.add.f32.msk $0xffff, v1  }
0x223: {  	v1 =	vld.idx.msk [tilespmem:v0+s31+$0x20 ss:$0x1], $0xffff  }
0x224: {  	[tilespmem:s0+$0x10] =	vst.add.f32.msk $0xffff, v2  }
0x225: {  	[tilespmem:s0+$0x20] =	vst.add.f32.msk $0xffff, v3  }
0x226: {  	[tilespmem:s0+$0x30] =	vst.add.f32.msk $0xffff, v4  }
0x227: {  	[tilespmem:s0+$0x40] =	vst.add.f32.msk $0xffff, v5  }
0x228: {  	[tilespmem:s0+$0x50] =	vst.add.f32.msk $0xffff, v6  }
0x229: {  	[tilespmem:s0+$0x0] =	vst.add.f32.msk $0xffff, v7  }
0x22a: {  	s30 =	simm.s32 $0x0;
	s31 =	sadd.s32 $0x400, s31;
	[tilespmem:s0+$0x60] =	vst.add.f32.msk $0xffff, v1  }
.LBB2_39:
0x22b: {  	v1 =	vld.idx.msk [tilespmem:v0+s31+$0x30 ss:$0x1], $0xffff;
	s30 =	sadd.s32 $0x80, s30  }
0x22c: {  	v2 =	vld.idx.msk [tilespmem:v0+s31+$0xFFFFFFD0 ss:$0x1], $0xffff;
	p0 =	slt.u32 s30, $0x380  }
0x22d: {  	v3 =	vld.idx.msk [tilespmem:v0+s31+$0xFFFFFFE0 ss:$0x1], $0xffff  }
0x22e: {  	v4 =	vld.idx.msk [tilespmem:v0+s31+$0xFFFFFFF0 ss:$0x1], $0xffff  }
0x22f: {  	s29 =	sadd.s32 $0x400, s29;
	v5 =	vld.idx.msk [tilespmem:v0+s31+$0x0 ss:$0x1], $0xffff  }
0x230: {  	s0 =	sadd.s32 s28, s29;
	v6 =	vld.idx.msk [tilespmem:v0+s31+$0x10 ss:$0x1], $0xffff  }
0x231: {  	[tilespmem:s0+$0x70] =	vst.add.f32.msk $0xffff, v1  }
0x232: {  	v1 =	vld.idx.msk [tilespmem:v0+s31+$0x20 ss:$0x1], $0xffff  }
0x233: {  	v7 =	vld.idx.msk [tilespmem:v0+s31+$0xFFFFFFC0 ss:$0x1], $0xffff  }
0x234: {  	[tilespmem:s0+$0x10] =	vst.add.f32.msk $0xffff, v2  }
0x235: {  	[tilespmem:s0+$0x20] =	vst.add.f32.msk $0xffff, v3  }
.Ltmp18:
0x236: {  	[tilespmem:s0+$0x30] =	vst.add.f32.msk $0xffff, v4;
	(pc) =	sbr.rel @p0 .LBB2_39-.Ltmp18, $4  }
0x237: {  	[tilespmem:s0+$0x40] =	vst.add.f32.msk $0xffff, v5  }
0x238: {  	[tilespmem:s0+$0x50] =	vst.add.f32.msk $0xffff, v6  }
0x239: {  	[tilespmem:s0+$0x0] =	vst.add.f32.msk $0xffff, v7  }
0x23a: {  	s31 =	sadd.s32 $0x400, s31;
	[tilespmem:s0+$0x60] =	vst.add.f32.msk $0xffff, v1  }
0x23b: {  	s26 =	sadd.s32 $0x1, s26  }
0x23c: {  	p0 =	sne.s32 s26, $0x10  }
.Ltmp19:
0x23d: {  	_ = 	snop;
	(pc) =	sbr.rel @p0 .LBB2_38-.Ltmp19, $2  }
0x23e: {  	_ =	sdelay $0x2  }
0x23f: {  	s25 =	sadd.s32 $0x1, s25;
	s24 =	sadd.s32 $0x400, s24  }
0x240: {  	s24 =	simm.s32 $0x0;
	s0 =	rddreg [dreg:$0x19]  }
0x241: {  	[hbm4b:s0+s24] =	stream.linear.scatter [tilespmem:s11], [sflag:$0x8], $0x4000, $0x38;
	[tilespmem:$0x18000] =	vst v63  }
0x242: {  	_ =	swait.ge [sflag:s17], $0x4000  }
0x243: {  	[sflag:s17] =	ssyncset.done $0x0  }
0x244: {  	s31 =	rddreg [dreg:$0x1e];
	[sflag:s17] =	ssyncadd.s32 $0xFFFFC000  }
0x245: {  	[tilespmem:s10], [sflag:$0x3] =	stream.linear.gather [hbm4b:s31+s24], $0x4000, $0x38;
	[tilespmem:$0x18000] =	vst v63  }
0x246: {  	_ =	swait.ge [sflag:s18], $0x4000  }
0x247: {  	[sflag:s18] =	ssyncset.done $0x0  }
0x248: {  	s25 =	simm.s32 $0x0;
	s26 =	simm.s32 $0x0;
	[sflag:s18] =	ssyncadd.s32 $0xFFFFC000  }
.LBB2_42:
0x249: {  	s0 =	sand.u32 $0x7, s25  }
0x24a: {  	s0 =	sshll.u32 s0, $0x9  }
0x24b: {  	s28 =	sshrl.u32 s0, $0x2  }
0x24c: {  	v0 =	vmov s28;
	_ =	sdelay $0x2  }
0x24d: {  	s0 =	sand.u32 $0x3FFFE000, s24  }
0x24e: {  	s31 =	sor.u32 $0x40, s0  }
0x24f: {  	v1 =	vld.idx.msk [tilespmem:v0+s31+$0x30 ss:$0x1], $0xffff  }
0x250: {  	v2 =	vld.idx.msk [tilespmem:v0+s31+$0xFFFFFFD0 ss:$0x1], $0xffff  }
0x251: {  	v3 =	vld.idx.msk [tilespmem:v0+s31+$0xFFFFFFE0 ss:$0x1], $0xffff  }
0x252: {  	v4 =	vld.idx.msk [tilespmem:v0+s31+$0xFFFFFFF0 ss:$0x1], $0xffff  }
0x253: {  	v5 =	vld.idx.msk [tilespmem:v0+s31+$0x0 ss:$0x1], $0xffff  }
0x254: {  	s29 =	sadd.s32 $0x10000, s0;
	v6 =	vld.idx.msk [tilespmem:v0+s31+$0x10 ss:$0x1], $0xffff  }
0x255: {  	s0 =	sadd.s32 s28, s29;
	v7 =	vld.idx.msk [tilespmem:v0+s31+$0xFFFFFFC0 ss:$0x1], $0xffff  }
0x256: {  	[tilespmem:s0+$0x70] =	vst.add.f32.msk $0xffff, v1  }
0x257: {  	v1 =	vld.idx.msk [tilespmem:v0+s31+$0x20 ss:$0x1], $0xffff  }
0x258: {  	[tilespmem:s0+$0x10] =	vst.add.f32.msk $0xffff, v2  }
0x259: {  	[tilespmem:s0+$0x20] =	vst.add.f32.msk $0xffff, v3  }
0x25a: {  	[tilespmem:s0+$0x30] =	vst.add.f32.msk $0xffff, v4  }
0x25b: {  	[tilespmem:s0+$0x40] =	vst.add.f32.msk $0xffff, v5  }
0x25c: {  	[tilespmem:s0+$0x50] =	vst.add.f32.msk $0xffff, v6  }
0x25d: {  	[tilespmem:s0+$0x0] =	vst.add.f32.msk $0xffff, v7  }
0x25e: {  	s30 =	simm.s32 $0x0;
	s31 =	sadd.s32 $0x400, s31;
	[tilespmem:s0+$0x60] =	vst.add.f32.msk $0xffff, v1  }
.LBB2_43:
0x25f: {  	v1 =	vld.idx.msk [tilespmem:v0+s31+$0x30 ss:$0x1], $0xffff;
	s30 =	sadd.s32 $0x80, s30  }
0x260: {  	v2 =	vld.idx.msk [tilespmem:v0+s31+$0xFFFFFFD0 ss:$0x1], $0xffff;
	p0 =	slt.u32 s30, $0x380  }
0x261: {  	v3 =	vld.idx.msk [tilespmem:v0+s31+$0xFFFFFFE0 ss:$0x1], $0xffff  }
0x262: {  	v4 =	vld.idx.msk [tilespmem:v0+s31+$0xFFFFFFF0 ss:$0x1], $0xffff  }
0x263: {  	s29 =	sadd.s32 $0x400, s29;
	v5 =	vld.idx.msk [tilespmem:v0+s31+$0x0 ss:$0x1], $0xffff  }
0x264: {  	s0 =	sadd.s32 s28, s29;
	v6 =	vld.idx.msk [tilespmem:v0+s31+$0x10 ss:$0x1], $0xffff  }
0x265: {  	[tilespmem:s0+$0x70] =	vst.add.f32.msk $0xffff, v1  }
0x266: {  	v1 =	vld.idx.msk [tilespmem:v0+s31+$0x20 ss:$0x1], $0xffff  }
0x267: {  	v7 =	vld.idx.msk [tilespmem:v0+s31+$0xFFFFFFC0 ss:$0x1], $0xffff  }
0x268: {  	[tilespmem:s0+$0x10] =	vst.add.f32.msk $0xffff, v2  }
0x269: {  	[tilespmem:s0+$0x20] =	vst.add.f32.msk $0xffff, v3  }
.Ltmp20:
0x26a: {  	[tilespmem:s0+$0x30] =	vst.add.f32.msk $0xffff, v4;
	(pc) =	sbr.rel @p0 .LBB2_43-.Ltmp20, $4  }
0x26b: {  	[tilespmem:s0+$0x40] =	vst.add.f32.msk $0xffff, v5  }
0x26c: {  	[tilespmem:s0+$0x50] =	vst.add.f32.msk $0xffff, v6  }
0x26d: {  	[tilespmem:s0+$0x0] =	vst.add.f32.msk $0xffff, v7  }
0x26e: {  	s31 =	sadd.s32 $0x400, s31;
	[tilespmem:s0+$0x60] =	vst.add.f32.msk $0xffff, v1  }
0x26f: {  	s26 =	sadd.s32 $0x1, s26  }
0x270: {  	p0 =	sne.s32 s26, $0x10  }
.Ltmp21:
0x271: {  	_ = 	snop;
	(pc) =	sbr.rel @p0 .LBB2_42-.Ltmp21, $2  }
0x272: {  	_ =	sdelay $0x2  }
0x273: {  	s25 =	sadd.s32 $0x1, s25;
	s24 =	sadd.s32 $0x400, s24  }
0x274: {  	s24 =	simm.s32 $0x0;
	s0 =	rddreg [dreg:$0x1b]  }
0x275: {  	[hbm4b:s0+s24] =	stream.linear.scatter [tilespmem:s12], [sflag:$0x9], $0x4000, $0x38;
	[tilespmem:$0x18000] =	vst v63  }
0x276: {  	_ =	swait.ge [sflag:s19], $0x4000  }
0x277: {  	[sflag:s19] =	ssyncset.done $0x0  }
0x278: {  	[sflag:s19] =	ssyncadd.s32 $0xFFFFC000  }
0x279: {  	[tilespmem:s11], [sflag:$0x4] =	stream.linear.gather [hbm4b:s2+s24], $0x4000, $0x38;
	[tilespmem:$0x18000] =	vst v63  }
0x27a: {  	_ =	swait.ge [sflag:s20], $0x4000  }
0x27b: {  	[sflag:s20] =	ssyncset.done $0x0  }
0x27c: {  	s25 =	simm.s32 $0x0;
	s26 =	simm.s32 $0x0;
	[sflag:s20] =	ssyncadd.s32 $0xFFFFC000  }
.LBB2_46:
0x27d: {  	s0 =	sand.u32 $0x7, s25  }
0x27e: {  	s0 =	sshll.u32 s0, $0x9  }
0x27f: {  	s28 =	sshrl.u32 s0, $0x2  }
0x280: {  	v0 =	vmov s28;
	_ =	sdelay $0x2  }
0x281: {  	s0 =	sand.u32 $0x3FFFE000, s24  }
0x282: {  	s31 =	sor.u32 $0x40, s0  }
0x283: {  	v1 =	vld.idx.msk [tilespmem:v0+s31+$0x30 ss:$0x1], $0xffff  }
0x284: {  	v2 =	vld.idx.msk [tilespmem:v0+s31+$0xFFFFFFD0 ss:$0x1], $0xffff  }
0x285: {  	v3 =	vld.idx.msk [tilespmem:v0+s31+$0xFFFFFFE0 ss:$0x1], $0xffff  }
0x286: {  	v4 =	vld.idx.msk [tilespmem:v0+s31+$0xFFFFFFF0 ss:$0x1], $0xffff  }
0x287: {  	v5 =	vld.idx.msk [tilespmem:v0+s31+$0x0 ss:$0x1], $0xffff  }
0x288: {  	s29 =	sadd.s32 $0x14000, s0;
	v6 =	vld.idx.msk [tilespmem:v0+s31+$0x10 ss:$0x1], $0xffff  }
0x289: {  	s0 =	sadd.s32 s28, s29;
	v7 =	vld.idx.msk [tilespmem:v0+s31+$0xFFFFFFC0 ss:$0x1], $0xffff  }
0x28a: {  	[tilespmem:s0+$0x70] =	vst.add.f32.msk $0xffff, v1  }
0x28b: {  	v1 =	vld.idx.msk [tilespmem:v0+s31+$0x20 ss:$0x1], $0xffff  }
0x28c: {  	[tilespmem:s0+$0x10] =	vst.add.f32.msk $0xffff, v2  }
0x28d: {  	[tilespmem:s0+$0x20] =	vst.add.f32.msk $0xffff, v3  }
0x28e: {  	[tilespmem:s0+$0x30] =	vst.add.f32.msk $0xffff, v4  }
0x28f: {  	[tilespmem:s0+$0x40] =	vst.add.f32.msk $0xffff, v5  }
0x290: {  	[tilespmem:s0+$0x50] =	vst.add.f32.msk $0xffff, v6  }
0x291: {  	[tilespmem:s0+$0x0] =	vst.add.f32.msk $0xffff, v7  }
0x292: {  	s30 =	simm.s32 $0x0;
	s31 =	sadd.s32 $0x400, s31;
	[tilespmem:s0+$0x60] =	vst.add.f32.msk $0xffff, v1  }
.LBB2_47:
0x293: {  	v1 =	vld.idx.msk [tilespmem:v0+s31+$0x30 ss:$0x1], $0xffff;
	s30 =	sadd.s32 $0x80, s30  }
0x294: {  	v2 =	vld.idx.msk [tilespmem:v0+s31+$0xFFFFFFD0 ss:$0x1], $0xffff;
	p0 =	slt.u32 s30, $0x380  }
0x295: {  	v3 =	vld.idx.msk [tilespmem:v0+s31+$0xFFFFFFE0 ss:$0x1], $0xffff  }
0x296: {  	v4 =	vld.idx.msk [tilespmem:v0+s31+$0xFFFFFFF0 ss:$0x1], $0xffff  }
0x297: {  	s29 =	sadd.s32 $0x400, s29;
	v5 =	vld.idx.msk [tilespmem:v0+s31+$0x0 ss:$0x1], $0xffff  }
0x298: {  	s0 =	sadd.s32 s28, s29;
	v6 =	vld.idx.msk [tilespmem:v0+s31+$0x10 ss:$0x1], $0xffff  }
0x299: {  	[tilespmem:s0+$0x70] =	vst.add.f32.msk $0xffff, v1  }
0x29a: {  	v1 =	vld.idx.msk [tilespmem:v0+s31+$0x20 ss:$0x1], $0xffff  }
0x29b: {  	v7 =	vld.idx.msk [tilespmem:v0+s31+$0xFFFFFFC0 ss:$0x1], $0xffff  }
0x29c: {  	[tilespmem:s0+$0x10] =	vst.add.f32.msk $0xffff, v2  }
0x29d: {  	[tilespmem:s0+$0x20] =	vst.add.f32.msk $0xffff, v3  }
.Ltmp22:
0x29e: {  	[tilespmem:s0+$0x30] =	vst.add.f32.msk $0xffff, v4;
	(pc) =	sbr.rel @p0 .LBB2_47-.Ltmp22, $4  }
0x29f: {  	[tilespmem:s0+$0x40] =	vst.add.f32.msk $0xffff, v5  }
0x2a0: {  	[tilespmem:s0+$0x50] =	vst.add.f32.msk $0xffff, v6  }
0x2a1: {  	[tilespmem:s0+$0x0] =	vst.add.f32.msk $0xffff, v7  }
0x2a2: {  	s31 =	sadd.s32 $0x400, s31;
	[tilespmem:s0+$0x60] =	vst.add.f32.msk $0xffff, v1  }
0x2a3: {  	s26 =	sadd.s32 $0x1, s26  }
0x2a4: {  	p0 =	sne.s32 s26, $0x10  }
.Ltmp23:
0x2a5: {  	_ = 	snop;
	(pc) =	sbr.rel @p0 .LBB2_46-.Ltmp23, $2  }
0x2a6: {  	_ =	sdelay $0x2  }
0x2a7: {  	s25 =	sadd.s32 $0x1, s25;
	s24 =	sadd.s32 $0x400, s24  }
0x2a8: {  	s24 =	simm.s32 $0x0;
	s0 =	rddreg [dreg:$0x1d]  }
0x2a9: {  	[hbm4b:s0+s24] =	stream.linear.scatter [tilespmem:s15], [sflag:$0xA], $0x4000, $0x38;
	[tilespmem:$0x18000] =	vst v63  }
0x2aa: {  	_ =	swait.ge [sflag:s21], $0x4000  }
0x2ab: {  	[sflag:s21] =	ssyncset.done $0x0  }
0x2ac: {  	[sflag:s21] =	ssyncadd.s32 $0xFFFFC000  }
0x2ad: {  	[tilespmem:s12], [sflag:$0x5] =	stream.linear.gather [hbm4b:s3+s24], $0x4000, $0x38;
	[tilespmem:$0x18000] =	vst v63  }
0x2ae: {  	_ =	swait.ge [sflag:s13], $0x4000  }
0x2af: {  	[sflag:s13] =	ssyncset.done $0x0  }
0x2b0: {  	[sflag:s13] =	ssyncadd.s32 $0xFFFFC000  }
0x2b1: {  	_ =	swait.ge [sflag:s22], $0x4000  }
0x2b2: {  	[sflag:s22] =	ssyncset.done $0x0  }
0x2b3: {  	s25 =	simm.s32 $0x0;
	s26 =	simm.s32 $0x0;
	[sflag:s22] =	ssyncadd.s32 $0xFFFFC000  }
.LBB2_50:
0x2b4: {  	s0 =	sand.u32 $0x7, s25  }
0x2b5: {  	s0 =	sshll.u32 s0, $0x9  }
0x2b6: {  	s28 =	sshrl.u32 s0, $0x2  }
0x2b7: {  	v0 =	vmov s28;
	_ =	sdelay $0x2  }
0x2b8: {  	s0 =	sand.u32 $0x3FFFE000, s24  }
0x2b9: {  	s31 =	sadd.s32 $0x4040, s0  }
0x2ba: {  	v1 =	vld.idx.msk [tilespmem:v0+s31+$0x30 ss:$0x1], $0xffff  }
0x2bb: {  	v2 =	vld.idx.msk [tilespmem:v0+s31+$0xFFFFFFD0 ss:$0x1], $0xffff  }
0x2bc: {  	v3 =	vld.idx.msk [tilespmem:v0+s31+$0xFFFFFFE0 ss:$0x1], $0xffff  }
0x2bd: {  	v4 =	vld.idx.msk [tilespmem:v0+s31+$0xFFFFFFF0 ss:$0x1], $0xffff  }
0x2be: {  	v5 =	vld.idx.msk [tilespmem:v0+s31+$0x0 ss:$0x1], $0xffff  }
0x2bf: {  	s29 =	sadd.s32 $0x8000, s0;
	v6 =	vld.idx.msk [tilespmem:v0+s31+$0x10 ss:$0x1], $0xffff  }
0x2c0: {  	s0 =	sadd.s32 s28, s29;
	v7 =	vld.idx.msk [tilespmem:v0+s31+$0xFFFFFFC0 ss:$0x1], $0xffff  }
0x2c1: {  	[tilespmem:s0+$0x70] =	vst.add.f32.msk $0xffff, v1  }
0x2c2: {  	v1 =	vld.idx.msk [tilespmem:v0+s31+$0x20 ss:$0x1], $0xffff  }
0x2c3: {  	[tilespmem:s0+$0x10] =	vst.add.f32.msk $0xffff, v2  }
0x2c4: {  	[tilespmem:s0+$0x20] =	vst.add.f32.msk $0xffff, v3  }
0x2c5: {  	[tilespmem:s0+$0x30] =	vst.add.f32.msk $0xffff, v4  }
0x2c6: {  	[tilespmem:s0+$0x40] =	vst.add.f32.msk $0xffff, v5  }
0x2c7: {  	[tilespmem:s0+$0x50] =	vst.add.f32.msk $0xffff, v6  }
0x2c8: {  	[tilespmem:s0+$0x0] =	vst.add.f32.msk $0xffff, v7  }
0x2c9: {  	s30 =	simm.s32 $0x0;
	s31 =	sadd.s32 $0x400, s31;
	[tilespmem:s0+$0x60] =	vst.add.f32.msk $0xffff, v1  }
.LBB2_51:
0x2ca: {  	v1 =	vld.idx.msk [tilespmem:v0+s31+$0x30 ss:$0x1], $0xffff;
	s30 =	sadd.s32 $0x80, s30  }
0x2cb: {  	v2 =	vld.idx.msk [tilespmem:v0+s31+$0xFFFFFFD0 ss:$0x1], $0xffff;
	p0 =	slt.u32 s30, $0x380  }
0x2cc: {  	v3 =	vld.idx.msk [tilespmem:v0+s31+$0xFFFFFFE0 ss:$0x1], $0xffff  }
0x2cd: {  	v4 =	vld.idx.msk [tilespmem:v0+s31+$0xFFFFFFF0 ss:$0x1], $0xffff  }
0x2ce: {  	s29 =	sadd.s32 $0x400, s29;
	v5 =	vld.idx.msk [tilespmem:v0+s31+$0x0 ss:$0x1], $0xffff  }
0x2cf: {  	s0 =	sadd.s32 s28, s29;
	v6 =	vld.idx.msk [tilespmem:v0+s31+$0x10 ss:$0x1], $0xffff  }
0x2d0: {  	[tilespmem:s0+$0x70] =	vst.add.f32.msk $0xffff, v1  }
0x2d1: {  	v1 =	vld.idx.msk [tilespmem:v0+s31+$0x20 ss:$0x1], $0xffff  }
0x2d2: {  	v7 =	vld.idx.msk [tilespmem:v0+s31+$0xFFFFFFC0 ss:$0x1], $0xffff  }
0x2d3: {  	[tilespmem:s0+$0x10] =	vst.add.f32.msk $0xffff, v2  }
0x2d4: {  	[tilespmem:s0+$0x20] =	vst.add.f32.msk $0xffff, v3  }
.Ltmp24:
0x2d5: {  	[tilespmem:s0+$0x30] =	vst.add.f32.msk $0xffff, v4;
	(pc) =	sbr.rel @p0 .LBB2_51-.Ltmp24, $4  }
0x2d6: {  	[tilespmem:s0+$0x40] =	vst.add.f32.msk $0xffff, v5  }
0x2d7: {  	[tilespmem:s0+$0x50] =	vst.add.f32.msk $0xffff, v6  }
0x2d8: {  	[tilespmem:s0+$0x0] =	vst.add.f32.msk $0xffff, v7  }
0x2d9: {  	s31 =	sadd.s32 $0x400, s31;
	[tilespmem:s0+$0x60] =	vst.add.f32.msk $0xffff, v1  }
0x2da: {  	s26 =	sadd.s32 $0x1, s26  }
0x2db: {  	p0 =	sne.s32 s26, $0x10  }
.Ltmp25:
0x2dc: {  	_ = 	snop;
	(pc) =	sbr.rel @p0 .LBB2_50-.Ltmp25, $2  }
0x2dd: {  	_ =	sdelay $0x2  }
0x2de: {  	s25 =	sadd.s32 $0x1, s25;
	s24 =	sadd.s32 $0x400, s24  }
0x2df: {  	s24 =	simm.s32 $0x0;
	s0 =	rddreg [dreg:$0x1f]  }
0x2e0: {  	[hbm4b:s0+s24] =	stream.linear.scatter [tilespmem:s10], [sflag:$0x7], $0x4000, $0x38;
	[tilespmem:$0x18000] =	vst v63  }
0x2e1: {  	_ =	swait.ge [sflag:s23], $0x4000  }
0x2e2: {  	[sflag:s23] =	ssyncset.done $0x0  }
0x2e3: {  	[sflag:s23] =	ssyncadd.s32 $0xFFFFC000  }
0x2e4: {  	[tilespmem:s15], [sflag:$0x6] =	stream.linear.gather [hbm4b:s4+s24], $0x4000, $0x38;
	[tilespmem:$0x18000] =	vst v63  }
0x2e5: {  	_ =	swait.ge [sflag:s16], $0x4000  }
0x2e6: {  	[sflag:s16] =	ssyncset.done $0x0  }
0x2e7: {  	s25 =	simm.s32 $0x0;
	s26 =	simm.s32 $0x0;
	[sflag:s16] =	ssyncadd.s32 $0xFFFFC000  }
.LBB2_54:
0x2e8: {  	s0 =	sand.u32 $0x7, s25  }
0x2e9: {  	s0 =	sshll.u32 s0, $0x9  }
0x2ea: {  	s28 =	sshrl.u32 s0, $0x2  }
0x2eb: {  	v0 =	vmov s28;
	_ =	sdelay $0x2  }
0x2ec: {  	s0 =	sand.u32 $0x3FFFE000, s24  }
0x2ed: {  	s31 =	sadd.s32 $0x4040, s0  }
0x2ee: {  	v1 =	vld.idx.msk [tilespmem:v0+s31+$0x30 ss:$0x1], $0xffff  }
0x2ef: {  	v2 =	vld.idx.msk [tilespmem:v0+s31+$0xFFFFFFD0 ss:$0x1], $0xffff  }
0x2f0: {  	v3 =	vld.idx.msk [tilespmem:v0+s31+$0xFFFFFFE0 ss:$0x1], $0xffff  }
0x2f1: {  	v4 =	vld.idx.msk [tilespmem:v0+s31+$0xFFFFFFF0 ss:$0x1], $0xffff  }
0x2f2: {  	v5 =	vld.idx.msk [tilespmem:v0+s31+$0x0 ss:$0x1], $0xffff  }
0x2f3: {  	s29 =	sadd.s32 $0xC000, s0;
	v6 =	vld.idx.msk [tilespmem:v0+s31+$0x10 ss:$0x1], $0xffff  }
0x2f4: {  	s0 =	sadd.s32 s28, s29;
	v7 =	vld.idx.msk [tilespmem:v0+s31+$0xFFFFFFC0 ss:$0x1], $0xffff  }
0x2f5: {  	[tilespmem:s0+$0x70] =	vst.add.f32.msk $0xffff, v1  }
0x2f6: {  	v1 =	vld.idx.msk [tilespmem:v0+s31+$0x20 ss:$0x1], $0xffff  }
0x2f7: {  	[tilespmem:s0+$0x10] =	vst.add.f32.msk $0xffff, v2  }
0x2f8: {  	[tilespmem:s0+$0x20] =	vst.add.f32.msk $0xffff, v3  }
0x2f9: {  	[tilespmem:s0+$0x30] =	vst.add.f32.msk $0xffff, v4  }
0x2fa: {  	[tilespmem:s0+$0x40] =	vst.add.f32.msk $0xffff, v5  }
0x2fb: {  	[tilespmem:s0+$0x50] =	vst.add.f32.msk $0xffff, v6  }
0x2fc: {  	[tilespmem:s0+$0x0] =	vst.add.f32.msk $0xffff, v7  }
0x2fd: {  	s30 =	simm.s32 $0x0;
	s31 =	sadd.s32 $0x400, s31;
	[tilespmem:s0+$0x60] =	vst.add.f32.msk $0xffff, v1  }
.LBB2_55:
0x2fe: {  	v1 =	vld.idx.msk [tilespmem:v0+s31+$0x30 ss:$0x1], $0xffff;
	s30 =	sadd.s32 $0x80, s30  }
0x2ff: {  	v2 =	vld.idx.msk [tilespmem:v0+s31+$0xFFFFFFD0 ss:$0x1], $0xffff;
	p0 =	slt.u32 s30, $0x380  }
0x300: {  	v3 =	vld.idx.msk [tilespmem:v0+s31+$0xFFFFFFE0 ss:$0x1], $0xffff  }
0x301: {  	v4 =	vld.idx.msk [tilespmem:v0+s31+$0xFFFFFFF0 ss:$0x1], $0xffff  }
0x302: {  	s29 =	sadd.s32 $0x400, s29;
	v5 =	vld.idx.msk [tilespmem:v0+s31+$0x0 ss:$0x1], $0xffff  }
0x303: {  	s0 =	sadd.s32 s28, s29;
	v6 =	vld.idx.msk [tilespmem:v0+s31+$0x10 ss:$0x1], $0xffff  }
0x304: {  	[tilespmem:s0+$0x70] =	vst.add.f32.msk $0xffff, v1  }
0x305: {  	v1 =	vld.idx.msk [tilespmem:v0+s31+$0x20 ss:$0x1], $0xffff  }
0x306: {  	v7 =	vld.idx.msk [tilespmem:v0+s31+$0xFFFFFFC0 ss:$0x1], $0xffff  }
0x307: {  	[tilespmem:s0+$0x10] =	vst.add.f32.msk $0xffff, v2  }
0x308: {  	[tilespmem:s0+$0x20] =	vst.add.f32.msk $0xffff, v3  }
.Ltmp26:
0x309: {  	[tilespmem:s0+$0x30] =	vst.add.f32.msk $0xffff, v4;
	(pc) =	sbr.rel @p0 .LBB2_55-.Ltmp26, $4  }
0x30a: {  	[tilespmem:s0+$0x40] =	vst.add.f32.msk $0xffff, v5  }
0x30b: {  	[tilespmem:s0+$0x50] =	vst.add.f32.msk $0xffff, v6  }
0x30c: {  	[tilespmem:s0+$0x0] =	vst.add.f32.msk $0xffff, v7  }
0x30d: {  	s31 =	sadd.s32 $0x400, s31;
	[tilespmem:s0+$0x60] =	vst.add.f32.msk $0xffff, v1  }
0x30e: {  	s26 =	sadd.s32 $0x1, s26  }
0x30f: {  	p0 =	sne.s32 s26, $0x10  }
.Ltmp27:
0x310: {  	_ = 	snop;
	(pc) =	sbr.rel @p0 .LBB2_54-.Ltmp27, $2  }
0x311: {  	_ =	sdelay $0x2  }
0x312: {  	s25 =	sadd.s32 $0x1, s25;
	s24 =	sadd.s32 $0x400, s24  }
0x313: {  	s24 =	simm.s32 $0x0  }
0x314: {  	[hbm4b:s5+s24] =	stream.linear.scatter [tilespmem:s11], [sflag:$0x8], $0x4000, $0x38;
	[tilespmem:$0x18000] =	vst v63  }
0x315: {  	_ =	swait.ge [sflag:s17], $0x4000  }
0x316: {  	[sflag:s17] =	ssyncset.done $0x0  }
0x317: {  	[sflag:s17] =	ssyncadd.s32 $0xFFFFC000  }
0x318: {  	_ =	swait.ge [sflag:s18], $0x4000  }
0x319: {  	[sflag:s18] =	ssyncset.done $0x0  }
0x31a: {  	s25 =	simm.s32 $0x0;
	s26 =	simm.s32 $0x0;
	[sflag:s18] =	ssyncadd.s32 $0xFFFFC000  }
.LBB2_58:
0x31b: {  	s0 =	sand.u32 $0x7, s25  }
0x31c: {  	s0 =	sshll.u32 s0, $0x9  }
0x31d: {  	s28 =	sshrl.u32 s0, $0x2  }
0x31e: {  	v0 =	vmov s28;
	_ =	sdelay $0x2  }
0x31f: {  	s0 =	sand.u32 $0x3FFFE000, s24  }
0x320: {  	s31 =	sadd.s32 $0x4040, s0  }
0x321: {  	v1 =	vld.idx.msk [tilespmem:v0+s31+$0x30 ss:$0x1], $0xffff  }
0x322: {  	v2 =	vld.idx.msk [tilespmem:v0+s31+$0xFFFFFFD0 ss:$0x1], $0xffff  }
0x323: {  	v3 =	vld.idx.msk [tilespmem:v0+s31+$0xFFFFFFE0 ss:$0x1], $0xffff  }
0x324: {  	v4 =	vld.idx.msk [tilespmem:v0+s31+$0xFFFFFFF0 ss:$0x1], $0xffff  }
0x325: {  	v5 =	vld.idx.msk [tilespmem:v0+s31+$0x0 ss:$0x1], $0xffff  }
0x326: {  	s29 =	sadd.s32 $0x10000, s0;
	v6 =	vld.idx.msk [tilespmem:v0+s31+$0x10 ss:$0x1], $0xffff  }
0x327: {  	s0 =	sadd.s32 s28, s29;
	v7 =	vld.idx.msk [tilespmem:v0+s31+$0xFFFFFFC0 ss:$0x1], $0xffff  }
0x328: {  	[tilespmem:s0+$0x70] =	vst.add.f32.msk $0xffff, v1  }
0x329: {  	v1 =	vld.idx.msk [tilespmem:v0+s31+$0x20 ss:$0x1], $0xffff  }
0x32a: {  	[tilespmem:s0+$0x10] =	vst.add.f32.msk $0xffff, v2  }
0x32b: {  	[tilespmem:s0+$0x20] =	vst.add.f32.msk $0xffff, v3  }
0x32c: {  	[tilespmem:s0+$0x30] =	vst.add.f32.msk $0xffff, v4  }
0x32d: {  	[tilespmem:s0+$0x40] =	vst.add.f32.msk $0xffff, v5  }
0x32e: {  	[tilespmem:s0+$0x50] =	vst.add.f32.msk $0xffff, v6  }
0x32f: {  	[tilespmem:s0+$0x0] =	vst.add.f32.msk $0xffff, v7  }
0x330: {  	s30 =	simm.s32 $0x0;
	s31 =	sadd.s32 $0x400, s31;
	[tilespmem:s0+$0x60] =	vst.add.f32.msk $0xffff, v1  }
.LBB2_59:
0x331: {  	v1 =	vld.idx.msk [tilespmem:v0+s31+$0x30 ss:$0x1], $0xffff;
	s30 =	sadd.s32 $0x80, s30  }
0x332: {  	v2 =	vld.idx.msk [tilespmem:v0+s31+$0xFFFFFFD0 ss:$0x1], $0xffff;
	p0 =	slt.u32 s30, $0x380  }
0x333: {  	v3 =	vld.idx.msk [tilespmem:v0+s31+$0xFFFFFFE0 ss:$0x1], $0xffff  }
0x334: {  	v4 =	vld.idx.msk [tilespmem:v0+s31+$0xFFFFFFF0 ss:$0x1], $0xffff  }
0x335: {  	s29 =	sadd.s32 $0x400, s29;
	v5 =	vld.idx.msk [tilespmem:v0+s31+$0x0 ss:$0x1], $0xffff  }
0x336: {  	s0 =	sadd.s32 s28, s29;
	v6 =	vld.idx.msk [tilespmem:v0+s31+$0x10 ss:$0x1], $0xffff  }
0x337: {  	[tilespmem:s0+$0x70] =	vst.add.f32.msk $0xffff, v1  }
0x338: {  	v1 =	vld.idx.msk [tilespmem:v0+s31+$0x20 ss:$0x1], $0xffff  }
0x339: {  	v7 =	vld.idx.msk [tilespmem:v0+s31+$0xFFFFFFC0 ss:$0x1], $0xffff  }
0x33a: {  	[tilespmem:s0+$0x10] =	vst.add.f32.msk $0xffff, v2  }
0x33b: {  	[tilespmem:s0+$0x20] =	vst.add.f32.msk $0xffff, v3  }
.Ltmp28:
0x33c: {  	[tilespmem:s0+$0x30] =	vst.add.f32.msk $0xffff, v4;
	(pc) =	sbr.rel @p0 .LBB2_59-.Ltmp28, $4  }
0x33d: {  	[tilespmem:s0+$0x40] =	vst.add.f32.msk $0xffff, v5  }
0x33e: {  	[tilespmem:s0+$0x50] =	vst.add.f32.msk $0xffff, v6  }
0x33f: {  	[tilespmem:s0+$0x0] =	vst.add.f32.msk $0xffff, v7  }
0x340: {  	s31 =	sadd.s32 $0x400, s31;
	[tilespmem:s0+$0x60] =	vst.add.f32.msk $0xffff, v1  }
0x341: {  	s26 =	sadd.s32 $0x1, s26  }
0x342: {  	p0 =	sne.s32 s26, $0x10  }
.Ltmp29:
0x343: {  	_ = 	snop;
	(pc) =	sbr.rel @p0 .LBB2_58-.Ltmp29, $2  }
0x344: {  	_ =	sdelay $0x2  }
0x345: {  	s25 =	sadd.s32 $0x1, s25;
	s24 =	sadd.s32 $0x400, s24  }
0x346: {  	s24 =	simm.s32 $0x0  }
0x347: {  	[hbm4b:s6+s24] =	stream.linear.scatter [tilespmem:s12], [sflag:$0x9], $0x4000, $0x38;
	[tilespmem:$0x18000] =	vst v63  }
0x348: {  	_ =	swait.ge [sflag:s19], $0x4000  }
0x349: {  	[sflag:s19] =	ssyncset.done $0x0  }
0x34a: {  	[sflag:s19] =	ssyncadd.s32 $0xFFFFC000  }
0x34b: {  	_ =	swait.ge [sflag:s20], $0x4000  }
0x34c: {  	[sflag:s20] =	ssyncset.done $0x0  }
0x34d: {  	s25 =	simm.s32 $0x0;
	s26 =	simm.s32 $0x0;
	[sflag:s20] =	ssyncadd.s32 $0xFFFFC000  }
.LBB2_62:
0x34e: {  	s0 =	sand.u32 $0x7, s25  }
0x34f: {  	s0 =	sshll.u32 s0, $0x9  }
0x350: {  	s28 =	sshrl.u32 s0, $0x2  }
0x351: {  	v0 =	vmov s28;
	_ =	sdelay $0x2  }
0x352: {  	s0 =	sand.u32 $0x3FFFE000, s24  }
0x353: {  	s31 =	sadd.s32 $0x4040, s0  }
0x354: {  	v1 =	vld.idx.msk [tilespmem:v0+s31+$0x30 ss:$0x1], $0xffff  }
0x355: {  	v2 =	vld.idx.msk [tilespmem:v0+s31+$0xFFFFFFD0 ss:$0x1], $0xffff  }
0x356: {  	v3 =	vld.idx.msk [tilespmem:v0+s31+$0xFFFFFFE0 ss:$0x1], $0xffff  }
0x357: {  	v4 =	vld.idx.msk [tilespmem:v0+s31+$0xFFFFFFF0 ss:$0x1], $0xffff  }
0x358: {  	v5 =	vld.idx.msk [tilespmem:v0+s31+$0x0 ss:$0x1], $0xffff  }
0x359: {  	s29 =	sadd.s32 $0x14000, s0;
	v6 =	vld.idx.msk [tilespmem:v0+s31+$0x10 ss:$0x1], $0xffff  }
0x35a: {  	s0 =	sadd.s32 s28, s29;
	v7 =	vld.idx.msk [tilespmem:v0+s31+$0xFFFFFFC0 ss:$0x1], $0xffff  }
0x35b: {  	[tilespmem:s0+$0x70] =	vst.add.f32.msk $0xffff, v1  }
0x35c: {  	v1 =	vld.idx.msk [tilespmem:v0+s31+$0x20 ss:$0x1], $0xffff  }
0x35d: {  	[tilespmem:s0+$0x10] =	vst.add.f32.msk $0xffff, v2  }
0x35e: {  	[tilespmem:s0+$0x20] =	vst.add.f32.msk $0xffff, v3  }
0x35f: {  	[tilespmem:s0+$0x30] =	vst.add.f32.msk $0xffff, v4  }
0x360: {  	[tilespmem:s0+$0x40] =	vst.add.f32.msk $0xffff, v5  }
0x361: {  	[tilespmem:s0+$0x50] =	vst.add.f32.msk $0xffff, v6  }
0x362: {  	[tilespmem:s0+$0x0] =	vst.add.f32.msk $0xffff, v7  }
0x363: {  	s30 =	simm.s32 $0x0;
	s31 =	sadd.s32 $0x400, s31;
	[tilespmem:s0+$0x60] =	vst.add.f32.msk $0xffff, v1  }
.LBB2_63:
0x364: {  	v1 =	vld.idx.msk [tilespmem:v0+s31+$0x30 ss:$0x1], $0xffff;
	s30 =	sadd.s32 $0x80, s30  }
0x365: {  	v2 =	vld.idx.msk [tilespmem:v0+s31+$0xFFFFFFD0 ss:$0x1], $0xffff;
	p0 =	slt.u32 s30, $0x380  }
0x366: {  	v3 =	vld.idx.msk [tilespmem:v0+s31+$0xFFFFFFE0 ss:$0x1], $0xffff  }
0x367: {  	v4 =	vld.idx.msk [tilespmem:v0+s31+$0xFFFFFFF0 ss:$0x1], $0xffff  }
0x368: {  	s29 =	sadd.s32 $0x400, s29;
	v5 =	vld.idx.msk [tilespmem:v0+s31+$0x0 ss:$0x1], $0xffff  }
0x369: {  	s0 =	sadd.s32 s28, s29;
	v6 =	vld.idx.msk [tilespmem:v0+s31+$0x10 ss:$0x1], $0xffff  }
0x36a: {  	[tilespmem:s0+$0x70] =	vst.add.f32.msk $0xffff, v1  }
0x36b: {  	v1 =	vld.idx.msk [tilespmem:v0+s31+$0x20 ss:$0x1], $0xffff  }
0x36c: {  	v7 =	vld.idx.msk [tilespmem:v0+s31+$0xFFFFFFC0 ss:$0x1], $0xffff  }
0x36d: {  	[tilespmem:s0+$0x10] =	vst.add.f32.msk $0xffff, v2  }
0x36e: {  	[tilespmem:s0+$0x20] =	vst.add.f32.msk $0xffff, v3  }
.Ltmp30:
0x36f: {  	[tilespmem:s0+$0x30] =	vst.add.f32.msk $0xffff, v4;
	(pc) =	sbr.rel @p0 .LBB2_63-.Ltmp30, $4  }
0x370: {  	[tilespmem:s0+$0x40] =	vst.add.f32.msk $0xffff, v5  }
0x371: {  	[tilespmem:s0+$0x50] =	vst.add.f32.msk $0xffff, v6  }
0x372: {  	[tilespmem:s0+$0x0] =	vst.add.f32.msk $0xffff, v7  }
0x373: {  	s31 =	sadd.s32 $0x400, s31;
	[tilespmem:s0+$0x60] =	vst.add.f32.msk $0xffff, v1  }
0x374: {  	s26 =	sadd.s32 $0x1, s26  }
0x375: {  	p0 =	sne.s32 s26, $0x10  }
.Ltmp31:
0x376: {  	_ = 	snop;
	(pc) =	sbr.rel @p0 .LBB2_62-.Ltmp31, $2  }
0x377: {  	_ =	sdelay $0x2  }
0x378: {  	s25 =	sadd.s32 $0x1, s25;
	s24 =	sadd.s32 $0x400, s24  }
0x379: {  	[hbm4b:s7+s1] =	stream.linear.scatter [tilespmem:s15], [sflag:$0xA], $0x4000, $0x38;
	[tilespmem:$0x18000] =	vst v63  }
0x37a: {  	s9 =	sadd.s32 $0x1, s9  }
0x37b: {  	_ =	swait.ge [sflag:s21], $0x4000;
	p0 =	sne.s32 s9, s8  }
.Ltmp32:
0x37c: {  	[sflag:s21] =	ssyncset.done $0x0;
	(pc) =	sbr.rel @p0 .LBB2_1-.Ltmp32, $4  }
0x37d: {  	[sflag:s21] =	ssyncadd.s32 $0xFFFFC000  }
0x37e: {  	_ =	swait.ge [sflag:s23], $0x4000  }
0x37f: {  	[sflag:s23] =	ssyncset.done $0x0  }
0x380: {  	[sflag:s23] =	ssyncadd.s32 $0xFFFFC000  }
0x381: {  	_ =	sfence.sel $0x180000  }
0x382: {  	[bflag:$0x0] =	sbarrier.arrive $0xFFFF  }
0x383: {  	_ =	strace $0x90000047  }
0x384: {  	s0 =	stileid.u32;
	[bflag:$0x2] =	sbarrier.arrive $0xFFFF  }
0x385: {  	p0 =	sne.s32 s0, $0x0;
	s0 =	rddreg [dreg:$0x3]  }
0x386: {  	s0 =	sadd.s32 @!p0 $0x100000, s0  }
0x387: {  	[sflag:s0] =	ssyncadd.tile.s32 @!p0 $0x1;
	_ =	shalt  }
.Lfunc_end2:
_tile_overlayer_lowered:
.L_overlay_start_2:
0x388: {  	(tag) =	ssettag $0x2  }
0x389: {  	s0 =	rddreg [dreg:$0x0];
	s2 =	stileid.u32  }
0x38a: {  	s1 =	rddreg [dreg:$0x1];
	p0 =	sne.s32 s2, $0x0  }
0x38b: {  	s3 =	rddreg [dreg:$0x2];
	[bflag:$0x3] =	sbarrier.arrive $0xFFFF;
	s2 =	simm.s32 @!p0 $0x1C0B  }
0x38c: {  	[timem:s3], [sflag:s2] =	dma.local @!p0 [hbm:s0], s1  }
0x38d: {  	s0 =	simm.s32 @!p0 $0xB  }
0x38e: {  	_ =	swait.ge @!p0 [sflag:s0], s1  }
0x38f: {  	s1 =	ssub.s32 @!p0 $0x0, s1;
	[sflag:s0] =	ssyncset.done @!p0 $0x0  }
0x390: {  	[sflag:s0] =	ssyncadd.s32 @!p0 s1  }
0x391: {  	[bflag:$0x3] =	sbarrier.arrive $0xFFFF  }
0x392: {  	_ =	shalt  }

</sc_bundles>
